<compile_context>
chip_gen: v7x
topology: tpu7x:2x2x1
jax: 0.10.2.dev20260603
libtpu: 0.0.44.dev20260713+nightly
codegen_flags: <defaults>
</compile_context>

<pallas_src>
import functools

import jax
import jax.numpy as jnp
from jax import lax
from jax.experimental import pallas as pl
from jax.experimental.pallas import tpu as pltpu
from jax.experimental.pallas import tpu_sc as plsc

B, N, DIM = 16, 2048, 3
SUB = 128
EMBED = 3 * SUB
RB = 2048
NW = 32
BS = 4
B2 = B - BS
WPB = NW // BS
RPW = N // WPB
L = 16
G = 4
RB2 = 256

_INF = float("inf")


def _round_to_bf16(x):
    u = lax.bitcast_convert_type(x, jnp.uint32)
    r = (u + jnp.uint32(0x7FFF) + ((u >> 16) & jnp.uint32(1))) & jnp.uint32(0xFFFF0000)
    return lax.bitcast_convert_type(r, jnp.float32)



def _sc_top3_body(px_hbm, py_hbm, pz_hbm, s2_hbm, out_hbm,
                  px_v, py_v, pz_v, s2_v, ob_v):
    wid = lax.axis_index("s") * 2 + lax.axis_index("c")
    b = wid // WPB
    row0 = (wid % WPB) * RPW

    pltpu.sync_copy(px_hbm.at[pl.ds(b * N, N)], px_v)
    pltpu.sync_copy(py_hbm.at[pl.ds(b * N, N)], py_v)
    pltpu.sync_copy(pz_hbm.at[pl.ds(b * N, N)], pz_v)
    pltpu.sync_copy(s2_hbm.at[pl.ds(b * N, N)], s2_v)

    inf16 = jnp.full((L,), _INF, jnp.float32)
    lane = lax.iota(jnp.int32, L)

    def group_body(g, _):
        base = row0 + g * (G * L)
        n2x = [px_v[pl.ds(base + k * L, L)] * -2.0 for k in range(G)]
        n2y = [py_v[pl.ds(base + k * L, L)] * -2.0 for k in range(G)]
        n2z = [pz_v[pl.ds(base + k * L, L)] * -2.0 for k in range(G)]
        riv = [base + k * L + lane for k in range(G)]

        def make_body(with_diag):
            def col_body(j, carry):
                ms, jv = carry
                a = plsc.load_gather(px_v, [jv])
                bb = plsc.load_gather(py_v, [jv])
                c = plsc.load_gather(pz_v, [jv])
                sj = plsc.load_gather(s2_v, [jv])
                out = []
                for k in range(G):
                    m1, m2, m3 = ms[k]
                    t = sj + a * n2x[k]
                    t = t + bb * n2y[k]
                    t = t + c * n2z[k]
                    if with_diag:
                        t = jnp.where(jv == riv[k], _INF, t)
                    h = jnp.maximum(t, m1)
                    m1 = jnp.minimum(t, m1)
                    h2 = jnp.maximum(h, m2)
                    m2 = jnp.minimum(h, m2)
                    m3 = jnp.minimum(h2, m3)
                    out.append((m1, m2, m3))
                return tuple(out), jv + 1
            return col_body

        init = tuple((inf16, inf16, inf16) for _ in range(G))
        jv0 = jnp.zeros((L,), jnp.int32)
        ms, jvb = lax.fori_loop(0, base, make_body(False), (init, jv0))
        ms, jvc = lax.fori_loop(base, base + G * L, make_body(True), (ms, jvb))
        ms, _ = lax.fori_loop(base + G * L, N, make_body(False), (ms, jvc))

        for k in range(G):
            m1, m2, m3 = ms[k]
            sr = s2_v[pl.ds(base + k * L, L)]
            loc = g * (G * L) + k * L
            ob_v[pl.ds(loc, L)] = m1 + sr
            ob_v[pl.ds(RPW + loc, L)] = m2 + sr
            ob_v[pl.ds(2 * RPW + loc, L)] = m3 + sr
        return 0

    lax.fori_loop(0, RPW // (G * L), group_body, 0)

    for kk in range(3):
        pltpu.sync_copy(ob_v.at[pl.ds(kk * RPW, RPW)],
                        out_hbm.at[pl.ds(kk * BS * N + b * N + row0, RPW)])


@functools.partial(
    pl.kernel,
    mesh=plsc.VectorSubcoreMesh(core_axis_name="c", subcore_axis_name="s"),
    out_type=jax.ShapeDtypeStruct((3 * BS * N,), jnp.float32),
    scratch_types=[
        pltpu.VMEM((N,), jnp.float32),
        pltpu.VMEM((N,), jnp.float32),
        pltpu.VMEM((N,), jnp.float32),
        pltpu.VMEM((N,), jnp.float32),
        pltpu.VMEM((3 * RPW,), jnp.float32),
    ],
    compiler_params=pltpu.CompilerParams(needs_layout_passes=False),
)
def _sc_top3(px_hbm, py_hbm, pz_hbm, s2_hbm, out_hbm,
             px_v, py_v, pz_v, s2_v, ob_v):
    _sc_top3_body(px_hbm, py_hbm, pz_hbm, s2_hbm, out_hbm,
                  px_v, py_v, pz_v, s2_v, ob_v)



def _tc_top3_body(pts_ref, ptsT_ref, out_ref):
    rb = pl.program_id(1)
    pts_blk = pts_ref[0]
    ptsT = ptsT_ref[0]

    x2r = jnp.sum(pts_blk * pts_blk, axis=1, keepdims=True)
    x2c = jnp.sum(ptsT * ptsT, axis=0, keepdims=True)
    g = lax.dot_general(pts_blk, ptsT,
                        (((1,), (0,)), ((), ())),
                        preferred_element_type=jnp.float32)
    d2 = jnp.maximum(x2r + x2c - 2.0 * g, 0.0)

    row_ids = rb * RB2 + lax.broadcasted_iota(jnp.int32, (RB2, 1), 0)
    col_ids = lax.broadcasted_iota(jnp.int32, (1, N), 1)
    d2 = jnp.where(row_ids == col_ids, _INF, d2)

    m1 = jnp.min(d2, axis=1, keepdims=True)
    le1 = d2 <= m1
    c1 = jnp.sum(le1.astype(jnp.float32), axis=1, keepdims=True)
    d2b = jnp.where(le1, _INF, d2)
    m2 = jnp.min(d2b, axis=1, keepdims=True)
    le2 = d2b <= m2
    c2 = jnp.sum(le2.astype(jnp.float32), axis=1, keepdims=True)
    d2c = jnp.where(le2, _INF, d2b)
    m3 = jnp.min(d2c, axis=1, keepdims=True)

    out1 = m1
    out2 = jnp.where(c1 >= 2.0, m1, m2)
    out3 = jnp.where(c1 >= 3.0, m1, jnp.where(c1 + c2 >= 3.0, m2, m3))
    out_ref[0] = jnp.concatenate([out1, out2, out3], axis=1)


def _tc_top3(pts2, pts2T):
    grid = (B2, N // RB2)
    return pl.pallas_call(
        _tc_top3_body,
        grid=grid,
        in_specs=[
            pl.BlockSpec((1, RB2, DIM), lambda b, r: (b, r, 0)),
            pl.BlockSpec((1, DIM, N), lambda b, r: (b, 0, 0)),
        ],
        out_specs=pl.BlockSpec((1, RB2, 3), lambda b, r: (b, r, 0)),
        out_shape=jax.ShapeDtypeStruct((B2, N, 3), jnp.float32),
        compiler_params=pltpu.CompilerParams(
            dimension_semantics=("parallel", "arbitrary"),
        ),
    )(pts2, pts2T)



def _tc_body(pts_ref, ptsT_ref, top_ref, wrel_ref, brel_ref, wdist_ref,
             bdist_ref, wdens_ref, bdens_ref, wout_ref, bout_ref, out_ref):
    pts_blk = pts_ref[0]
    ptsT = ptsT_ref[0]

    csum = jnp.sum(ptsT, axis=1)
    centroid = (csum / jnp.float32(N))[None, :]
    rel = pts_blk - centroid

    rel_f = lax.dot_general(rel, wrel_ref[...],
                            (((1,), (0,)), ((), ())),
                            preferred_element_type=jnp.float32)
    rel_f = rel_f + brel_ref[...]

    cdist = jnp.sqrt(jnp.sum(rel * rel, axis=1, keepdims=True))
    dist_f = cdist * wdist_ref[...] + bdist_ref[...]

    t = top_ref[0]
    v1 = jnp.maximum(t[:, 0:1], 0.0)
    v2 = jnp.maximum(t[:, 1:2], 0.0)
    v3 = jnp.maximum(t[:, 2:3], 0.0)
    density = (jnp.sqrt(v1) + jnp.sqrt(v2) + jnp.sqrt(v3)) / 3.0

    dens_f = density * wdens_ref[...] + bdens_ref[...]

    feat = jnp.concatenate([rel_f, dist_f, dens_f], axis=1)
    out = lax.dot_general(feat, wout_ref[...],
                          (((1,), (0,)), ((), ())),
                          preferred_element_type=jnp.float32)
    out_ref[0] = out + bout_ref[...]


@jax.jit
def kernel(points, W_rel, b_rel, W_dist, b_dist, W_dens, b_dens, W_out, b_out):
    pointsT = jnp.transpose(points, (0, 2, 1))
    pointsTb = _round_to_bf16(pointsT[:BS])
    px = pointsTb[:, 0, :].reshape(BS * N)
    py = pointsTb[:, 1, :].reshape(BS * N)
    pz = pointsTb[:, 2, :].reshape(BS * N)
    s2 = jnp.sum(pointsT[:BS] * pointsT[:BS], axis=1).reshape(BS * N)
    top3_sc = _sc_top3(px, py, pz, s2).reshape(3, BS, N)
    top3_sc = jnp.transpose(top3_sc, (1, 2, 0))
    top3_tc = _tc_top3(points[BS:], pointsT[BS:])
    top3 = jnp.concatenate([top3_sc, top3_tc], axis=0)
    grid = (B, N // RB)
    out = pl.pallas_call(
        _tc_body,
        grid=grid,
        in_specs=[
            pl.BlockSpec((1, RB, DIM), lambda b, r: (b, r, 0)),
            pl.BlockSpec((1, DIM, N), lambda b, r: (b, 0, 0)),
            pl.BlockSpec((1, RB, 3), lambda b, r: (b, r, 0)),
            pl.BlockSpec((DIM, SUB), lambda b, r: (0, 0)),
            pl.BlockSpec((1, SUB), lambda b, r: (0, 0)),
            pl.BlockSpec((1, SUB), lambda b, r: (0, 0)),
            pl.BlockSpec((1, SUB), lambda b, r: (0, 0)),
            pl.BlockSpec((1, SUB), lambda b, r: (0, 0)),
            pl.BlockSpec((1, SUB), lambda b, r: (0, 0)),
            pl.BlockSpec((EMBED, EMBED), lambda b, r: (0, 0)),
            pl.BlockSpec((1, EMBED), lambda b, r: (0, 0)),
        ],
        out_specs=pl.BlockSpec((1, RB, EMBED), lambda b, r: (b, r, 0)),
        out_shape=jax.ShapeDtypeStruct((B, N, EMBED), jnp.float32),
        compiler_params=pltpu.CompilerParams(
            dimension_semantics=("parallel", "arbitrary"),
        ),
    )(points, pointsT, top3,
      W_rel, b_rel[None, :], W_dist, b_dist[None, :],
      W_dens, b_dens[None, :], W_out, b_out[None, :])
    return out

# --- scband reference (transcript-rebuilt; emitter-appended) ---
"""Pipeline reference for scband-ablated-encoder-16587163697711 (READ-ONLY COPY).

The authoritative reference and input builder live on the scoring server;
editing this copy changes nothing except your own understanding.
"""

import jax, jax.numpy as jnp
import numpy as np

EMBED_DIM = 384
SUB = EMBED_DIM // 3  # 128


def _local_density(points):
    # points: [B, N, 3]; mean distance to k=3 nearest neighbors (excluding self)
    def one(p):
        N = p.shape[0]
        x2 = jnp.sum(p * p, axis=-1)
        d2 = x2[:, None] + x2[None, :] - 2.0 * (p @ p.T)
        d2 = jnp.maximum(d2, 0.0)
        eye = jnp.eye(N, dtype=bool)
        d2 = jnp.where(eye, 1.0, d2)  # avoid sqrt(0) on diagonal
        d = jnp.sqrt(d2)
        d = jnp.where(eye, jnp.inf, d)  # fill_diagonal_(inf)
        k = min(3, N - 1)
        neg_top, _ = jax.lax.top_k(-d, k)  # k smallest distances
        return (-neg_top).mean(axis=1, keepdims=True)  # [N, 1]
    return jax.vmap(one)(points)  # [B, N, 1]


def setup_inputs(seed: int = 0) -> dict:
    key = jax.random.key(seed)
    ks = jax.random.split(key, 9)
    B, N = 16, 2048
    s = 0.05
    points = jax.random.normal(ks[0], (B, N, 3), dtype=jnp.float32)
    W_rel = jax.random.normal(ks[1], (3, SUB), dtype=jnp.float32) * s
    b_rel = jax.random.normal(ks[2], (SUB,), dtype=jnp.float32) * s
    W_dist = jax.random.normal(ks[3], (1, SUB), dtype=jnp.float32) * s
    b_dist = jax.random.normal(ks[4], (SUB,), dtype=jnp.float32) * s
    W_dens = jax.random.normal(ks[5], (1, SUB), dtype=jnp.float32) * s
    b_dens = jax.random.normal(ks[6], (SUB,), dtype=jnp.float32) * s
    W_out = jax.random.normal(ks[7], (3 * SUB, EMBED_DIM), dtype=jnp.float32) * s
    b_out = jax.random.normal(ks[8], (EMBED_DIM,), dtype=jnp.float32) * s
    return {"points": points, "W_rel": W_rel, "b_rel": b_rel,
            "W_dist": W_dist, "b_dist": b_dist, "W_dens": W_dens,
            "b_dens": b_dens, "W_out": W_out, "b_out": b_out}


def reference(points, W_rel, b_rel, W_dist, b_dist, W_dens, b_dens, W_out, b_out):
    # AblatedEncoder with ablation='no_count' -> NoCountFeatures path (mask=None)
    centroid = jnp.mean(points, axis=1, keepdims=True)          # [B, 1, 3]
    relative_pos = points - centroid                             # [B, N, 3]
    rel_features = relative_pos @ W_rel + b_rel                  # [B, N, SUB]
    centroid_dist = jnp.linalg.norm(relative_pos, axis=-1, keepdims=True)  # [B, N, 1]
    dist_features = centroid_dist @ W_dist + b_dist              # [B, N, SUB]
    local_density = _local_density(points)                       # [B, N, 1]
    density_features = local_density @ W_dens + b_dens           # [B, N, SUB]
    features = jnp.concatenate([rel_features, dist_features, density_features], axis=-1)
    return features @ W_out + b_out                              # [B, N, EMBED_DIM]

if __name__ == "__main__":
    import jax
    _d = setup_inputs()
    print(jax.jit(kernel)(*tuple(_d.values())))

</pallas_src>

<mosaic_0001>
#map = affine_map<(d0, d1) -> (0)>
module attributes {stable_mosaic.version = 14 : i64} {
  func.func @_sc_top3(%arg0: i32, %arg1: i32, %arg2: memref<8192xf32, #tpu.memory_space<hbm>>, %arg3: memref<8192xf32, #tpu.memory_space<hbm>>, %arg4: memref<8192xf32, #tpu.memory_space<hbm>>, %arg5: memref<8192xf32, #tpu.memory_space<hbm>>, %arg6: memref<24576xf32, #tpu.memory_space<hbm>>, %arg7: memref<2048xf32, #tpu.memory_space<vmem>>, %arg8: memref<2048xf32, #tpu.memory_space<vmem>>, %arg9: memref<2048xf32, #tpu.memory_space<vmem>>, %arg10: memref<2048xf32, #tpu.memory_space<vmem>>, %arg11: memref<768xf32, #tpu.memory_space<vmem>>) attributes {dimension_semantics = [#tpu.dimension_semantics<core_parallel>, #tpu.dimension_semantics<subcore_parallel>], iteration_bounds = array<i64: 2, 16>, scalar_prefetch = 0 : i64, scratch_operands = 5 : i64, tpu.core_type = #tpu.core_type<sc_vector_subcore>, window_params = [{transform_indices = #map}, {transform_indices = #map}, {transform_indices = #map}, {transform_indices = #map}, {transform_indices = #map}]} {
    %mul3A = arith.constant 2 : i32
    %mul3A_0 = arith.muli %arg1, %mul3A : i32
    %add3A = arith.addi %mul3A_0, %arg0 : i32
    %jit3A = arith.constant 8 : i32
    %div3A = arith.divsi %add3A, %jit3A : i32
    %sign3A = arith.constant 0 : i32
    %sign3A_1 = arith.cmpi sgt, %add3A, %sign3A : i32
    %sign3A_2 = arith.extui %sign3A_1 : i1 to i32
    %sign3A_3 = arith.constant 0 : i32
    %sign3A_4 = arith.cmpi slt, %add3A, %sign3A_3 : i32
    %sign3A_5 = arith.extui %sign3A_4 : i1 to i32
    %sign3A_6 = arith.subi %sign3A_2, %sign3A_5 : i32
    %sign3A_7 = arith.constant 0 : i32
    %sign3A_8 = arith.cmpi sgt, %jit3A, %sign3A_7 : i32
    %sign3A_9 = arith.extui %sign3A_8 : i1 to i32
    %sign3A_10 = arith.constant 0 : i32
    %sign3A_11 = arith.cmpi slt, %jit3A, %sign3A_10 : i32
    %sign3A_12 = arith.extui %sign3A_11 : i1 to i32
    %sign3A_13 = arith.subi %sign3A_9, %sign3A_12 : i32
    %ne3A = arith.cmpi ne, %sign3A_6, %sign3A_13 : i32
    %rem3A = arith.remsi %add3A, %jit3A : i32
    %ne3A_14 = arith.constant 0 : i32
    %ne3A_15 = arith.cmpi ne, %rem3A, %ne3A_14 : i32
    %and3A = arith.andi %ne3A, %ne3A_15 : i1
    %sub3A = arith.constant 1 : i32
    %sub3A_16 = arith.subi %div3A, %sub3A : i32
    %select_n3A = arith.select %and3A, %sub3A_16, %div3A : i32
    %jit3A_17 = arith.constant 8 : i32
    %eq3A = arith.constant 0 : i32
    %eq3A_18 = arith.cmpi eq, %jit3A_17, %eq3A : i32
    %jit3A_19 = arith.constant 1 : i32
    %select_n3A_20 = arith.select %eq3A_18, %jit3A_19, %jit3A_17 : i32
    %rem3A_21 = arith.remsi %add3A, %select_n3A_20 : i32
    %ne3A_22 = arith.constant 0 : i32
    %ne3A_23 = arith.cmpi ne, %rem3A_21, %ne3A_22 : i32
    %lt3A = arith.constant 0 : i32
    %lt3A_24 = arith.cmpi slt, %rem3A_21, %lt3A : i32
    %lt3A_25 = arith.constant 0 : i32
    %lt3A_26 = arith.cmpi slt, %select_n3A_20, %lt3A_25 : i32
    %ne3A_27 = arith.xori %lt3A_24, %lt3A_26 : i1
    %and3A_28 = arith.andi %ne3A_27, %ne3A_23 : i1
    %add3A_29 = arith.addi %rem3A_21, %select_n3A_20 : i32
    %select_n3A_30 = arith.select %and3A_28, %add3A_29, %rem3A_21 : i32
    %mul3A_31 = arith.constant 256 : i32
    %mul3A_32 = arith.muli %select_n3A_30, %mul3A_31 : i32
    %mul3A_33 = arith.constant 2048 : i32
    %mul3A_34 = arith.muli %select_n3A, %mul3A_33 : i32
    "tpu.region"() ({
      %run_scoped3A = tpu.sem_alloc : memref<!tpu.dma_semaphore, #tpu.memory_space<semaphore_mem>>
      %dma_start3A = tpu.memref_slice %arg2[%mul3A_34] : memref<8192xf32, #tpu.memory_space<hbm>> -> memref<2048xf32, #tpu.memory_space<hbm>>
      %dma_start3A_63 = tpu.memref_slice %arg2[%mul3A_34] : memref<8192xf32, #tpu.memory_space<hbm>> -> memref<2048xf32, #tpu.memory_space<hbm>>
      tpu.enqueue_dma source(%dma_start3A_63 : memref<2048xf32, #tpu.memory_space<hbm>>) target(%arg7 : memref<2048xf32, #tpu.memory_space<vmem>>) target_semaphore(%run_scoped3A : memref<!tpu.dma_semaphore, #tpu.memory_space<semaphore_mem>>)
      %dma_wait3A = tpu.memref_slice %arg2[%mul3A_34] : memref<8192xf32, #tpu.memory_space<hbm>> -> memref<2048xf32, #tpu.memory_space<hbm>>
      %dma_wait3A_64 = tpu.memref_slice %arg2[%mul3A_34] : memref<8192xf32, #tpu.memory_space<hbm>> -> memref<2048xf32, #tpu.memory_space<hbm>>
      tpu.wait_dma2 semaphore(%run_scoped3A : memref<!tpu.dma_semaphore, #tpu.memory_space<semaphore_mem>>) src(%dma_wait3A_64 : memref<2048xf32, #tpu.memory_space<hbm>>) dst(%arg7 : memref<2048xf32, #tpu.memory_space<vmem>>)
      tpu.yield
    }) : () -> ()
    %mul3A_35 = arith.constant 2048 : i32
    %mul3A_36 = arith.muli %select_n3A, %mul3A_35 : i32
    "tpu.region"() ({
      %run_scoped3A = tpu.sem_alloc : memref<!tpu.dma_semaphore, #tpu.memory_space<semaphore_mem>>
      %dma_start3A = tpu.memref_slice %arg3[%mul3A_36] : memref<8192xf32, #tpu.memory_space<hbm>> -> memref<2048xf32, #tpu.memory_space<hbm>>
      %dma_start3A_63 = tpu.memref_slice %arg3[%mul3A_36] : memref<8192xf32, #tpu.memory_space<hbm>> -> memref<2048xf32, #tpu.memory_space<hbm>>
      tpu.enqueue_dma source(%dma_start3A_63 : memref<2048xf32, #tpu.memory_space<hbm>>) target(%arg8 : memref<2048xf32, #tpu.memory_space<vmem>>) target_semaphore(%run_scoped3A : memref<!tpu.dma_semaphore, #tpu.memory_space<semaphore_mem>>)
      %dma_wait3A = tpu.memref_slice %arg3[%mul3A_36] : memref<8192xf32, #tpu.memory_space<hbm>> -> memref<2048xf32, #tpu.memory_space<hbm>>
      %dma_wait3A_64 = tpu.memref_slice %arg3[%mul3A_36] : memref<8192xf32, #tpu.memory_space<hbm>> -> memref<2048xf32, #tpu.memory_space<hbm>>
      tpu.wait_dma2 semaphore(%run_scoped3A : memref<!tpu.dma_semaphore, #tpu.memory_space<semaphore_mem>>) src(%dma_wait3A_64 : memref<2048xf32, #tpu.memory_space<hbm>>) dst(%arg8 : memref<2048xf32, #tpu.memory_space<vmem>>)
      tpu.yield
    }) : () -> ()
    %mul3A_37 = arith.constant 2048 : i32
    %mul3A_38 = arith.muli %select_n3A, %mul3A_37 : i32
    "tpu.region"() ({
      %run_scoped3A = tpu.sem_alloc : memref<!tpu.dma_semaphore, #tpu.memory_space<semaphore_mem>>
      %dma_start3A = tpu.memref_slice %arg4[%mul3A_38] : memref<8192xf32, #tpu.memory_space<hbm>> -> memref<2048xf32, #tpu.memory_space<hbm>>
      %dma_start3A_63 = tpu.memref_slice %arg4[%mul3A_38] : memref<8192xf32, #tpu.memory_space<hbm>> -> memref<2048xf32, #tpu.memory_space<hbm>>
      tpu.enqueue_dma source(%dma_start3A_63 : memref<2048xf32, #tpu.memory_space<hbm>>) target(%arg9 : memref<2048xf32, #tpu.memory_space<vmem>>) target_semaphore(%run_scoped3A : memref<!tpu.dma_semaphore, #tpu.memory_space<semaphore_mem>>)
      %dma_wait3A = tpu.memref_slice %arg4[%mul3A_38] : memref<8192xf32, #tpu.memory_space<hbm>> -> memref<2048xf32, #tpu.memory_space<hbm>>
      %dma_wait3A_64 = tpu.memref_slice %arg4[%mul3A_38] : memref<8192xf32, #tpu.memory_space<hbm>> -> memref<2048xf32, #tpu.memory_space<hbm>>
      tpu.wait_dma2 semaphore(%run_scoped3A : memref<!tpu.dma_semaphore, #tpu.memory_space<semaphore_mem>>) src(%dma_wait3A_64 : memref<2048xf32, #tpu.memory_space<hbm>>) dst(%arg9 : memref<2048xf32, #tpu.memory_space<vmem>>)
      tpu.yield
    }) : () -> ()
    %mul3A_39 = arith.constant 2048 : i32
    %mul3A_40 = arith.muli %select_n3A, %mul3A_39 : i32
    "tpu.region"() ({
      %run_scoped3A = tpu.sem_alloc : memref<!tpu.dma_semaphore, #tpu.memory_space<semaphore_mem>>
      %dma_start3A = tpu.memref_slice %arg5[%mul3A_40] : memref<8192xf32, #tpu.memory_space<hbm>> -> memref<2048xf32, #tpu.memory_space<hbm>>
      %dma_start3A_63 = tpu.memref_slice %arg5[%mul3A_40] : memref<8192xf32, #tpu.memory_space<hbm>> -> memref<2048xf32, #tpu.memory_space<hbm>>
      tpu.enqueue_dma source(%dma_start3A_63 : memref<2048xf32, #tpu.memory_space<hbm>>) target(%arg10 : memref<2048xf32, #tpu.memory_space<vmem>>) target_semaphore(%run_scoped3A : memref<!tpu.dma_semaphore, #tpu.memory_space<semaphore_mem>>)
      %dma_wait3A = tpu.memref_slice %arg5[%mul3A_40] : memref<8192xf32, #tpu.memory_space<hbm>> -> memref<2048xf32, #tpu.memory_space<hbm>>
      %dma_wait3A_64 = tpu.memref_slice %arg5[%mul3A_40] : memref<8192xf32, #tpu.memory_space<hbm>> -> memref<2048xf32, #tpu.memory_space<hbm>>
      tpu.wait_dma2 semaphore(%run_scoped3A : memref<!tpu.dma_semaphore, #tpu.memory_space<semaphore_mem>>) src(%dma_wait3A_64 : memref<2048xf32, #tpu.memory_space<hbm>>) dst(%arg10 : memref<2048xf32, #tpu.memory_space<vmem>>)
      tpu.yield
    }) : () -> ()
    %broadcast_in_dim3A = arith.constant 0x7F800000 : f32
    %broadcast_in_dim3A_41 = vector.broadcast %broadcast_in_dim3A : f32 to vector<16xf32>
    %iota3A = tpu.iota {dimensions = array<i32: 0>} : vector<16xi32>
    %scan3A = arith.constant 0 : i32
    %scan3A_42 = arith.constant 0 : i32
    %scan3A_43 = arith.constant 4 : i32
    %scan3A_44 = arith.addi %scan3A_42, %scan3A_43 : i32
    %scan3A_45 = arith.constant 1 : i32
    %scan3A_46 = scf.for %scan3A_63 = %scan3A_42 to %scan3A_44 step %scan3A_45 iter_args(%scan3A_64 = %scan3A) -> (i32)  : i32 {
      %mul3A_65 = arith.constant 64 : i32
      %mul3A_66 = arith.muli %scan3A_63, %mul3A_65 : i32
      %add3A_67 = arith.addi %mul3A_32, %mul3A_66 : i32
      %add3A_68 = arith.constant 0 : i32
      %add3A_69 = arith.addi %add3A_67, %add3A_68 : i32
      %get3A = arith.index_cast %add3A_69 : i32 to index
      %get3A_70 = tpu.vector_load %arg7[%get3A] {strides = array<i32>} : memref<2048xf32, #tpu.memory_space<vmem>>, vector<16xf32>,
      %mul3A_71 = arith.constant -2.000000e+00 : f32
      %mul3A_72 = vector.broadcast %mul3A_71 : f32 to vector<16xf32>
      %mul3A_73 = arith.mulf %get3A_70, %mul3A_72 : vector<16xf32>
      %add3A_74 = arith.constant 16 : i32
      %add3A_75 = arith.addi %add3A_67, %add3A_74 : i32
      %get3A_76 = arith.index_cast %add3A_75 : i32 to index
      %get3A_77 = tpu.vector_load %arg7[%get3A_76] {strides = array<i32>} : memref<2048xf32, #tpu.memory_space<vmem>>, vector<16xf32>,
      %mul3A_78 = arith.constant -2.000000e+00 : f32
      %mul3A_79 = vector.broadcast %mul3A_78 : f32 to vector<16xf32>
      %mul3A_80 = arith.mulf %get3A_77, %mul3A_79 : vector<16xf32>
      %add3A_81 = arith.constant 32 : i32
      %add3A_82 = arith.addi %add3A_67, %add3A_81 : i32
      %get3A_83 = arith.index_cast %add3A_82 : i32 to index
      %get3A_84 = tpu.vector_load %arg7[%get3A_83] {strides = array<i32>} : memref<2048xf32, #tpu.memory_space<vmem>>, vector<16xf32>,
      %mul3A_85 = arith.constant -2.000000e+00 : f32
      %mul3A_86 = vector.broadcast %mul3A_85 : f32 to vector<16xf32>
      %mul3A_87 = arith.mulf %get3A_84, %mul3A_86 : vector<16xf32>
      %add3A_88 = arith.constant 48 : i32
      %add3A_89 = arith.addi %add3A_67, %add3A_88 : i32
      %get3A_90 = arith.index_cast %add3A_89 : i32 to index
      %get3A_91 = tpu.vector_load %arg7[%get3A_90] {strides = array<i32>} : memref<2048xf32, #tpu.memory_space<vmem>>, vector<16xf32>,
      %mul3A_92 = arith.constant -2.000000e+00 : f32
      %mul3A_93 = vector.broadcast %mul3A_92 : f32 to vector<16xf32>
      %mul3A_94 = arith.mulf %get3A_91, %mul3A_93 : vector<16xf32>
      %add3A_95 = arith.constant 0 : i32
      %add3A_96 = arith.addi %add3A_67, %add3A_95 : i32
      %get3A_97 = arith.index_cast %add3A_96 : i32 to index
      %get3A_98 = tpu.vector_load %arg8[%get3A_97] {strides = array<i32>} : memref<2048xf32, #tpu.memory_space<vmem>>, vector<16xf32>,
      %mul3A_99 = arith.constant -2.000000e+00 : f32
      %mul3A_100 = vector.broadcast %mul3A_99 : f32 to vector<16xf32>
      %mul3A_101 = arith.mulf %get3A_98, %mul3A_100 : vector<16xf32>
      %add3A_102 = arith.constant 16 : i32
      %add3A_103 = arith.addi %add3A_67, %add3A_102 : i32
      %get3A_104 = arith.index_cast %add3A_103 : i32 to index
      %get3A_105 = tpu.vector_load %arg8[%get3A_104] {strides = array<i32>} : memref<2048xf32, #tpu.memory_space<vmem>>, vector<16xf32>,
      %mul3A_106 = arith.constant -2.000000e+00 : f32
      %mul3A_107 = vector.broadcast %mul3A_106 : f32 to vector<16xf32>
      %mul3A_108 = arith.mulf %get3A_105, %mul3A_107 : vector<16xf32>
      %add3A_109 = arith.constant 32 : i32
      %add3A_110 = arith.addi %add3A_67, %add3A_109 : i32
      %get3A_111 = arith.index_cast %add3A_110 : i32 to index
      %get3A_112 = tpu.vector_load %arg8[%get3A_111] {strides = array<i32>} : memref<2048xf32, #tpu.memory_space<vmem>>, vector<16xf32>,
      %mul3A_113 = arith.constant -2.000000e+00 : f32
      %mul3A_114 = vector.broadcast %mul3A_113 : f32 to vector<16xf32>
      %mul3A_115 = arith.mulf %get3A_112, %mul3A_114 : vector<16xf32>
      %add3A_116 = arith.constant 48 : i32
      %add3A_117 = arith.addi %add3A_67, %add3A_116 : i32
      %get3A_118 = arith.index_cast %add3A_117 : i32 to index
      %get3A_119 = tpu.vector_load %arg8[%get3A_118] {strides = array<i32>} : memref<2048xf32, #tpu.memory_space<vmem>>, vector<16xf32>,
      %mul3A_120 = arith.constant -2.000000e+00 : f32
      %mul3A_121 = vector.broadcast %mul3A_120 : f32 to vector<16xf32>
      %mul3A_122 = arith.mulf %get3A_119, %mul3A_121 : vector<16xf32>
      %add3A_123 = arith.constant 0 : i32
      %add3A_124 = arith.addi %add3A_67, %add3A_123 : i32
      %get3A_125 = arith.index_cast %add3A_124 : i32 to index
      %get3A_126 = tpu.vector_load %arg9[%get3A_125] {strides = array<i32>} : memref<2048xf32, #tpu.memory_space<vmem>>, vector<16xf32>,
      %mul3A_127 = arith.constant -2.000000e+00 : f32
      %mul3A_128 = vector.broadcast %mul3A_127 : f32 to vector<16xf32>
      %mul3A_129 = arith.mulf %get3A_126, %mul3A_128 : vector<16xf32>
      %add3A_130 = arith.constant 16 : i32
      %add3A_131 = arith.addi %add3A_67, %add3A_130 : i32
      %get3A_132 = arith.index_cast %add3A_131 : i32 to index
      %get3A_133 = tpu.vector_load %arg9[%get3A_132] {strides = array<i32>} : memref<2048xf32, #tpu.memory_space<vmem>>, vector<16xf32>,
      %mul3A_134 = arith.constant -2.000000e+00 : f32
      %mul3A_135 = vector.broadcast %mul3A_134 : f32 to vector<16xf32>
      %mul3A_136 = arith.mulf %get3A_133, %mul3A_135 : vector<16xf32>
      %add3A_137 = arith.constant 32 : i32
      %add3A_138 = arith.addi %add3A_67, %add3A_137 : i32
      %get3A_139 = arith.index_cast %add3A_138 : i32 to index
      %get3A_140 = tpu.vector_load %arg9[%get3A_139] {strides = array<i32>} : memref<2048xf32, #tpu.memory_space<vmem>>, vector<16xf32>,
      %mul3A_141 = arith.constant -2.000000e+00 : f32
      %mul3A_142 = vector.broadcast %mul3A_141 : f32 to vector<16xf32>
      %mul3A_143 = arith.mulf %get3A_140, %mul3A_142 : vector<16xf32>
      %add3A_144 = arith.constant 48 : i32
      %add3A_145 = arith.addi %add3A_67, %add3A_144 : i32
      %get3A_146 = arith.index_cast %add3A_145 : i32 to index
      %get3A_147 = tpu.vector_load %arg9[%get3A_146] {strides = array<i32>} : memref<2048xf32, #tpu.memory_space<vmem>>, vector<16xf32>,
      %mul3A_148 = arith.constant -2.000000e+00 : f32
      %mul3A_149 = vector.broadcast %mul3A_148 : f32 to vector<16xf32>
      %mul3A_150 = arith.mulf %get3A_147, %mul3A_149 : vector<16xf32>
      %add3A_151 = arith.constant 0 : i32
      %add3A_152 = arith.addi %add3A_67, %add3A_151 : i32
      %add3A_153 = vector.broadcast %add3A_152 : i32 to vector<16xi32>
      %add3A_154 = arith.addi %add3A_153, %iota3A : vector<16xi32>
      %add3A_155 = arith.constant 16 : i32
      %add3A_156 = arith.addi %add3A_67, %add3A_155 : i32
      %add3A_157 = vector.broadcast %add3A_156 : i32 to vector<16xi32>
      %add3A_158 = arith.addi %add3A_157, %iota3A : vector<16xi32>
      %add3A_159 = arith.constant 32 : i32
      %add3A_160 = arith.addi %add3A_67, %add3A_159 : i32
      %add3A_161 = vector.broadcast %add3A_160 : i32 to vector<16xi32>
      %add3A_162 = arith.addi %add3A_161, %iota3A : vector<16xi32>
      %add3A_163 = arith.constant 48 : i32
      %add3A_164 = arith.addi %add3A_67, %add3A_163 : i32
      %add3A_165 = vector.broadcast %add3A_164 : i32 to vector<16xi32>
      %add3A_166 = arith.addi %add3A_165, %iota3A : vector<16xi32>
      %broadcast_in_dim3A_167 = arith.constant 0 : i32
      %broadcast_in_dim3A_168 = vector.broadcast %broadcast_in_dim3A_167 : i32 to vector<16xi32>
      %while3A = arith.constant 0 : i32
      %while3A_169 = arith.subi %add3A_67, %while3A : i32
      %while3A_170 = arith.addi %while3A, %while3A_169 : i32
      %while3A_171 = arith.constant 1 : i32
      %while3A_172 = arith.divsi %while3A_169, %while3A_171 : i32
      %while3A_173 = arith.muli %while3A_172, %while3A_171 : i32
      %while3A_174 = arith.addi %while3A, %while3A_173 : i32
      %while3A_175 = arith.constant 1 : i32
      %while3A_176:13 = scf.for %while3A_288 = %while3A to %while3A_174 step %while3A_175 iter_args(%while3A_289 = %broadcast_in_dim3A_41, %while3A_290 = %broadcast_in_dim3A_41, %while3A_291 = %broadcast_in_dim3A_41, %while3A_292 = %broadcast_in_dim3A_41, %while3A_293 = %broadcast_in_dim3A_41, %while3A_294 = %broadcast_in_dim3A_41, %while3A_295 = %broadcast_in_dim3A_41, %while3A_296 = %broadcast_in_dim3A_41, %while3A_297 = %broadcast_in_dim3A_41, %while3A_298 = %broadcast_in_dim3A_41, %while3A_299 = %broadcast_in_dim3A_41, %while3A_300 = %broadcast_in_dim3A_41, %while3A_301 = %broadcast_in_dim3A_168) -> (vector<16xf32>, vector<16xf32>, vector<16xf32>, vector<16xf32>, vector<16xf32>, vector<16xf32>, vector<16xf32>, vector<16xf32>, vector<16xf32>, vector<16xf32>, vector<16xf32>, vector<16xf32>, vector<16xi32>)  : i32 {
        %gather3A = tpu.vector_load_idx %arg7[%while3A_301] : memref<2048xf32, #tpu.memory_space<vmem>>[vector<16xi32>], vector<16xf32>,
        %gather3A_302 = tpu.vector_load_idx %arg8[%while3A_301] : memref<2048xf32, #tpu.memory_space<vmem>>[vector<16xi32>], vector<16xf32>,
        %gather3A_303 = tpu.vector_load_idx %arg9[%while3A_301] : memref<2048xf32, #tpu.memory_space<vmem>>[vector<16xi32>], vector<16xf32>,
        %gather3A_304 = tpu.vector_load_idx %arg10[%while3A_301] : memref<2048xf32, #tpu.memory_space<vmem>>[vector<16xi32>], vector<16xf32>,
        %mul3A_305 = arith.mulf %gather3A, %mul3A_73 : vector<16xf32>
        %add3A_306 = arith.addf %gather3A_304, %mul3A_305 : vector<16xf32>
        %mul3A_307 = arith.mulf %gather3A_302, %mul3A_101 : vector<16xf32>
        %add3A_308 = arith.addf %add3A_306, %mul3A_307 : vector<16xf32>
        %mul3A_309 = arith.mulf %gather3A_303, %mul3A_129 : vector<16xf32>
        %add3A_310 = arith.addf %add3A_308, %mul3A_309 : vector<16xf32>
        %max3A = arith.maximumf %add3A_310, %while3A_289 : vector<16xf32>
        %min3A = arith.minimumf %add3A_310, %while3A_289 : vector<16xf32>
        %max3A_311 = arith.maximumf %max3A, %while3A_290 : vector<16xf32>
        %min3A_312 = arith.minimumf %max3A, %while3A_290 : vector<16xf32>
        %min3A_313 = arith.minimumf %max3A_311, %while3A_291 : vector<16xf32>
        %mul3A_314 = arith.mulf %gather3A, %mul3A_80 : vector<16xf32>
        %add3A_315 = arith.addf %gather3A_304, %mul3A_314 : vector<16xf32>
        %mul3A_316 = arith.mulf %gather3A_302, %mul3A_108 : vector<16xf32>
        %add3A_317 = arith.addf %add3A_315, %mul3A_316 : vector<16xf32>
        %mul3A_318 = arith.mulf %gather3A_303, %mul3A_136 : vector<16xf32>
        %add3A_319 = arith.addf %add3A_317, %mul3A_318 : vector<16xf32>
        %max3A_320 = arith.maximumf %add3A_319, %while3A_292 : vector<16xf32>
        %min3A_321 = arith.minimumf %add3A_319, %while3A_292 : vector<16xf32>
        %max3A_322 = arith.maximumf %max3A_320, %while3A_293 : vector<16xf32>
        %min3A_323 = arith.minimumf %max3A_320, %while3A_293 : vector<16xf32>
        %min3A_324 = arith.minimumf %max3A_322, %while3A_294 : vector<16xf32>
        %mul3A_325 = arith.mulf %gather3A, %mul3A_87 : vector<16xf32>
        %add3A_326 = arith.addf %gather3A_304, %mul3A_325 : vector<16xf32>
        %mul3A_327 = arith.mulf %gather3A_302, %mul3A_115 : vector<16xf32>
        %add3A_328 = arith.addf %add3A_326, %mul3A_327 : vector<16xf32>
        %mul3A_329 = arith.mulf %gather3A_303, %mul3A_143 : vector<16xf32>
        %add3A_330 = arith.addf %add3A_328, %mul3A_329 : vector<16xf32>
        %max3A_331 = arith.maximumf %add3A_330, %while3A_295 : vector<16xf32>
        %min3A_332 = arith.minimumf %add3A_330, %while3A_295 : vector<16xf32>
        %max3A_333 = arith.maximumf %max3A_331, %while3A_296 : vector<16xf32>
        %min3A_334 = arith.minimumf %max3A_331, %while3A_296 : vector<16xf32>
        %min3A_335 = arith.minimumf %max3A_333, %while3A_297 : vector<16xf32>
        %mul3A_336 = arith.mulf %gather3A, %mul3A_94 : vector<16xf32>
        %add3A_337 = arith.addf %gather3A_304, %mul3A_336 : vector<16xf32>
        %mul3A_338 = arith.mulf %gather3A_302, %mul3A_122 : vector<16xf32>
        %add3A_339 = arith.addf %add3A_337, %mul3A_338 : vector<16xf32>
        %mul3A_340 = arith.mulf %gather3A_303, %mul3A_150 : vector<16xf32>
        %add3A_341 = arith.addf %add3A_339, %mul3A_340 : vector<16xf32>
        %max3A_342 = arith.maximumf %add3A_341, %while3A_298 : vector<16xf32>
        %min3A_343 = arith.minimumf %add3A_341, %while3A_298 : vector<16xf32>
        %max3A_344 = arith.maximumf %max3A_342, %while3A_299 : vector<16xf32>
        %min3A_345 = arith.minimumf %max3A_342, %while3A_299 : vector<16xf32>
        %min3A_346 = arith.minimumf %max3A_344, %while3A_300 : vector<16xf32>
        %add3A_347 = arith.constant 1 : i32
        %add3A_348 = vector.broadcast %add3A_347 : i32 to vector<16xi32>
        %add3A_349 = arith.addi %while3A_301, %add3A_348 : vector<16xi32>
        scf.yield %min3A, %min3A_312, %min3A_313, %min3A_321, %min3A_323, %min3A_324, %min3A_332, %min3A_334, %min3A_335, %min3A_343, %min3A_345, %min3A_346, %add3A_349 : vector<16xf32>, vector<16xf32>, vector<16xf32>, vector<16xf32>, vector<16xf32>, vector<16xf32>, vector<16xf32>, vector<16xf32>, vector<16xf32>, vector<16xf32>, vector<16xf32>, vector<16xf32>, vector<16xi32>
      }
      %while3A_177 = arith.constant 1 : i32
      %while3A_178:13 = scf.for %while3A_288 = %while3A_174 to %while3A_170 step %while3A_177 iter_args(%while3A_289 = %while3A_176#0, %while3A_290 = %while3A_176#1, %while3A_291 = %while3A_176#2, %while3A_292 = %while3A_176#3, %while3A_293 = %while3A_176#4, %while3A_294 = %while3A_176#5, %while3A_295 = %while3A_176#6, %while3A_296 = %while3A_176#7, %while3A_297 = %while3A_176#8, %while3A_298 = %while3A_176#9, %while3A_299 = %while3A_176#10, %while3A_300 = %while3A_176#11, %while3A_301 = %while3A_176#12) -> (vector<16xf32>, vector<16xf32>, vector<16xf32>, vector<16xf32>, vector<16xf32>, vector<16xf32>, vector<16xf32>, vector<16xf32>, vector<16xf32>, vector<16xf32>, vector<16xf32>, vector<16xf32>, vector<16xi32>)  : i32 {
        %gather3A = tpu.vector_load_idx %arg7[%while3A_301] : memref<2048xf32, #tpu.memory_space<vmem>>[vector<16xi32>], vector<16xf32>,
        %gather3A_302 = tpu.vector_load_idx %arg8[%while3A_301] : memref<2048xf32, #tpu.memory_space<vmem>>[vector<16xi32>], vector<16xf32>,
        %gather3A_303 = tpu.vector_load_idx %arg9[%while3A_301] : memref<2048xf32, #tpu.memory_space<vmem>>[vector<16xi32>], vector<16xf32>,
        %gather3A_304 = tpu.vector_load_idx %arg10[%while3A_301] : memref<2048xf32, #tpu.memory_space<vmem>>[vector<16xi32>], vector<16xf32>,
        %mul3A_305 = arith.mulf %gather3A, %mul3A_73 : vector<16xf32>
        %add3A_306 = arith.addf %gather3A_304, %mul3A_305 : vector<16xf32>
        %mul3A_307 = arith.mulf %gather3A_302, %mul3A_101 : vector<16xf32>
        %add3A_308 = arith.addf %add3A_306, %mul3A_307 : vector<16xf32>
        %mul3A_309 = arith.mulf %gather3A_303, %mul3A_129 : vector<16xf32>
        %add3A_310 = arith.addf %add3A_308, %mul3A_309 : vector<16xf32>
        %max3A = arith.maximumf %add3A_310, %while3A_289 : vector<16xf32>
        %min3A = arith.minimumf %add3A_310, %while3A_289 : vector<16xf32>
        %max3A_311 = arith.maximumf %max3A, %while3A_290 : vector<16xf32>
        %min3A_312 = arith.minimumf %max3A, %while3A_290 : vector<16xf32>
        %min3A_313 = arith.minimumf %max3A_311, %while3A_291 : vector<16xf32>
        %mul3A_314 = arith.mulf %gather3A, %mul3A_80 : vector<16xf32>
        %add3A_315 = arith.addf %gather3A_304, %mul3A_314 : vector<16xf32>
        %mul3A_316 = arith.mulf %gather3A_302, %mul3A_108 : vector<16xf32>
        %add3A_317 = arith.addf %add3A_315, %mul3A_316 : vector<16xf32>
        %mul3A_318 = arith.mulf %gather3A_303, %mul3A_136 : vector<16xf32>
        %add3A_319 = arith.addf %add3A_317, %mul3A_318 : vector<16xf32>
        %max3A_320 = arith.maximumf %add3A_319, %while3A_292 : vector<16xf32>
        %min3A_321 = arith.minimumf %add3A_319, %while3A_292 : vector<16xf32>
        %max3A_322 = arith.maximumf %max3A_320, %while3A_293 : vector<16xf32>
        %min3A_323 = arith.minimumf %max3A_320, %while3A_293 : vector<16xf32>
        %min3A_324 = arith.minimumf %max3A_322, %while3A_294 : vector<16xf32>
        %mul3A_325 = arith.mulf %gather3A, %mul3A_87 : vector<16xf32>
        %add3A_326 = arith.addf %gather3A_304, %mul3A_325 : vector<16xf32>
        %mul3A_327 = arith.mulf %gather3A_302, %mul3A_115 : vector<16xf32>
        %add3A_328 = arith.addf %add3A_326, %mul3A_327 : vector<16xf32>
        %mul3A_329 = arith.mulf %gather3A_303, %mul3A_143 : vector<16xf32>
        %add3A_330 = arith.addf %add3A_328, %mul3A_329 : vector<16xf32>
        %max3A_331 = arith.maximumf %add3A_330, %while3A_295 : vector<16xf32>
        %min3A_332 = arith.minimumf %add3A_330, %while3A_295 : vector<16xf32>
        %max3A_333 = arith.maximumf %max3A_331, %while3A_296 : vector<16xf32>
        %min3A_334 = arith.minimumf %max3A_331, %while3A_296 : vector<16xf32>
        %min3A_335 = arith.minimumf %max3A_333, %while3A_297 : vector<16xf32>
        %mul3A_336 = arith.mulf %gather3A, %mul3A_94 : vector<16xf32>
        %add3A_337 = arith.addf %gather3A_304, %mul3A_336 : vector<16xf32>
        %mul3A_338 = arith.mulf %gather3A_302, %mul3A_122 : vector<16xf32>
        %add3A_339 = arith.addf %add3A_337, %mul3A_338 : vector<16xf32>
        %mul3A_340 = arith.mulf %gather3A_303, %mul3A_150 : vector<16xf32>
        %add3A_341 = arith.addf %add3A_339, %mul3A_340 : vector<16xf32>
        %max3A_342 = arith.maximumf %add3A_341, %while3A_298 : vector<16xf32>
        %min3A_343 = arith.minimumf %add3A_341, %while3A_298 : vector<16xf32>
        %max3A_344 = arith.maximumf %max3A_342, %while3A_299 : vector<16xf32>
        %min3A_345 = arith.minimumf %max3A_342, %while3A_299 : vector<16xf32>
        %min3A_346 = arith.minimumf %max3A_344, %while3A_300 : vector<16xf32>
        %add3A_347 = arith.constant 1 : i32
        %add3A_348 = vector.broadcast %add3A_347 : i32 to vector<16xi32>
        %add3A_349 = arith.addi %while3A_301, %add3A_348 : vector<16xi32>
        scf.yield %min3A, %min3A_312, %min3A_313, %min3A_321, %min3A_323, %min3A_324, %min3A_332, %min3A_334, %min3A_335, %min3A_343, %min3A_345, %min3A_346, %add3A_349 : vector<16xf32>, vector<16xf32>, vector<16xf32>, vector<16xf32>, vector<16xf32>, vector<16xf32>, vector<16xf32>, vector<16xf32>, vector<16xf32>, vector<16xf32>, vector<16xf32>, vector<16xf32>, vector<16xi32>
      }
      %add3A_179 = arith.constant 64 : i32
      %add3A_180 = arith.addi %add3A_67, %add3A_179 : i32
      %while3A_181 = arith.subi %add3A_180, %add3A_67 : i32
      %while3A_182 = arith.addi %add3A_67, %while3A_181 : i32
      %while3A_183 = arith.constant 1 : i32
      %while3A_184 = arith.divsi %while3A_181, %while3A_183 : i32
      %while3A_185 = arith.muli %while3A_184, %while3A_183 : i32
      %while3A_186 = arith.addi %add3A_67, %while3A_185 : i32
      %while3A_187 = arith.constant 1 : i32
      %while3A_188:13 = scf.for %while3A_288 = %add3A_67 to %while3A_186 step %while3A_187 iter_args(%while3A_289 = %while3A_178#0, %while3A_290 = %while3A_178#1, %while3A_291 = %while3A_178#2, %while3A_292 = %while3A_178#3, %while3A_293 = %while3A_178#4, %while3A_294 = %while3A_178#5, %while3A_295 = %while3A_178#6, %while3A_296 = %while3A_178#7, %while3A_297 = %while3A_178#8, %while3A_298 = %while3A_178#9, %while3A_299 = %while3A_178#10, %while3A_300 = %while3A_178#11, %while3A_301 = %while3A_178#12) -> (vector<16xf32>, vector<16xf32>, vector<16xf32>, vector<16xf32>, vector<16xf32>, vector<16xf32>, vector<16xf32>, vector<16xf32>, vector<16xf32>, vector<16xf32>, vector<16xf32>, vector<16xf32>, vector<16xi32>)  : i32 {
        %gather3A = tpu.vector_load_idx %arg7[%while3A_301] : memref<2048xf32, #tpu.memory_space<vmem>>[vector<16xi32>], vector<16xf32>,
        %gather3A_302 = tpu.vector_load_idx %arg8[%while3A_301] : memref<2048xf32, #tpu.memory_space<vmem>>[vector<16xi32>], vector<16xf32>,
        %gather3A_303 = tpu.vector_load_idx %arg9[%while3A_301] : memref<2048xf32, #tpu.memory_space<vmem>>[vector<16xi32>], vector<16xf32>,
        %gather3A_304 = tpu.vector_load_idx %arg10[%while3A_301] : memref<2048xf32, #tpu.memory_space<vmem>>[vector<16xi32>], vector<16xf32>,
        %mul3A_305 = arith.mulf %gather3A, %mul3A_73 : vector<16xf32>
        %add3A_306 = arith.addf %gather3A_304, %mul3A_305 : vector<16xf32>
        %mul3A_307 = arith.mulf %gather3A_302, %mul3A_101 : vector<16xf32>
        %add3A_308 = arith.addf %add3A_306, %mul3A_307 : vector<16xf32>
        %mul3A_309 = arith.mulf %gather3A_303, %mul3A_129 : vector<16xf32>
        %add3A_310 = arith.addf %add3A_308, %mul3A_309 : vector<16xf32>
        %eq3A_311 = arith.cmpi eq, %while3A_301, %add3A_154 : vector<16xi32>
        %jit3A_312 = arith.constant 0x7F800000 : f32
        %broadcast_in_dim3A_313 = vector.broadcast %jit3A_312 : f32 to vector<16xf32>
        %select_n3A_314 = arith.select %eq3A_311, %broadcast_in_dim3A_313, %add3A_310 : vector<16xi1>, vector<16xf32>
        %max3A = arith.maximumf %select_n3A_314, %while3A_289 : vector<16xf32>
        %min3A = arith.minimumf %select_n3A_314, %while3A_289 : vector<16xf32>
        %max3A_315 = arith.maximumf %max3A, %while3A_290 : vector<16xf32>
        %min3A_316 = arith.minimumf %max3A, %while3A_290 : vector<16xf32>
        %min3A_317 = arith.minimumf %max3A_315, %while3A_291 : vector<16xf32>
        %mul3A_318 = arith.mulf %gather3A, %mul3A_80 : vector<16xf32>
        %add3A_319 = arith.addf %gather3A_304, %mul3A_318 : vector<16xf32>
        %mul3A_320 = arith.mulf %gather3A_302, %mul3A_108 : vector<16xf32>
        %add3A_321 = arith.addf %add3A_319, %mul3A_320 : vector<16xf32>
        %mul3A_322 = arith.mulf %gather3A_303, %mul3A_136 : vector<16xf32>
        %add3A_323 = arith.addf %add3A_321, %mul3A_322 : vector<16xf32>
        %eq3A_324 = arith.cmpi eq, %while3A_301, %add3A_158 : vector<16xi32>
        %jit3A_325 = arith.constant 0x7F800000 : f32
        %broadcast_in_dim3A_326 = vector.broadcast %jit3A_325 : f32 to vector<16xf32>
        %select_n3A_327 = arith.select %eq3A_324, %broadcast_in_dim3A_326, %add3A_323 : vector<16xi1>, vector<16xf32>
        %max3A_328 = arith.maximumf %select_n3A_327, %while3A_292 : vector<16xf32>
        %min3A_329 = arith.minimumf %select_n3A_327, %while3A_292 : vector<16xf32>
        %max3A_330 = arith.maximumf %max3A_328, %while3A_293 : vector<16xf32>
        %min3A_331 = arith.minimumf %max3A_328, %while3A_293 : vector<16xf32>
        %min3A_332 = arith.minimumf %max3A_330, %while3A_294 : vector<16xf32>
        %mul3A_333 = arith.mulf %gather3A, %mul3A_87 : vector<16xf32>
        %add3A_334 = arith.addf %gather3A_304, %mul3A_333 : vector<16xf32>
        %mul3A_335 = arith.mulf %gather3A_302, %mul3A_115 : vector<16xf32>
        %add3A_336 = arith.addf %add3A_334, %mul3A_335 : vector<16xf32>
        %mul3A_337 = arith.mulf %gather3A_303, %mul3A_143 : vector<16xf32>
        %add3A_338 = arith.addf %add3A_336, %mul3A_337 : vector<16xf32>
        %eq3A_339 = arith.cmpi eq, %while3A_301, %add3A_162 : vector<16xi32>
        %jit3A_340 = arith.constant 0x7F800000 : f32
        %broadcast_in_dim3A_341 = vector.broadcast %jit3A_340 : f32 to vector<16xf32>
        %select_n3A_342 = arith.select %eq3A_339, %broadcast_in_dim3A_341, %add3A_338 : vector<16xi1>, vector<16xf32>
        %max3A_343 = arith.maximumf %select_n3A_342, %while3A_295 : vector<16xf32>
        %min3A_344 = arith.minimumf %select_n3A_342, %while3A_295 : vector<16xf32>
        %max3A_345 = arith.maximumf %max3A_343, %while3A_296 : vector<16xf32>
        %min3A_346 = arith.minimumf %max3A_343, %while3A_296 : vector<16xf32>
        %min3A_347 = arith.minimumf %max3A_345, %while3A_297 : vector<16xf32>
        %mul3A_348 = arith.mulf %gather3A, %mul3A_94 : vector<16xf32>
        %add3A_349 = arith.addf %gather3A_304, %mul3A_348 : vector<16xf32>
        %mul3A_350 = arith.mulf %gather3A_302, %mul3A_122 : vector<16xf32>
        %add3A_351 = arith.addf %add3A_349, %mul3A_350 : vector<16xf32>
        %mul3A_352 = arith.mulf %gather3A_303, %mul3A_150 : vector<16xf32>
        %add3A_353 = arith.addf %add3A_351, %mul3A_352 : vector<16xf32>
        %eq3A_354 = arith.cmpi eq, %while3A_301, %add3A_166 : vector<16xi32>
        %jit3A_355 = arith.constant 0x7F800000 : f32
        %broadcast_in_dim3A_356 = vector.broadcast %jit3A_355 : f32 to vector<16xf32>
        %select_n3A_357 = arith.select %eq3A_354, %broadcast_in_dim3A_356, %add3A_353 : vector<16xi1>, vector<16xf32>
        %max3A_358 = arith.maximumf %select_n3A_357, %while3A_298 : vector<16xf32>
        %min3A_359 = arith.minimumf %select_n3A_357, %while3A_298 : vector<16xf32>
        %max3A_360 = arith.maximumf %max3A_358, %while3A_299 : vector<16xf32>
        %min3A_361 = arith.minimumf %max3A_358, %while3A_299 : vector<16xf32>
        %min3A_362 = arith.minimumf %max3A_360, %while3A_300 : vector<16xf32>
        %add3A_363 = arith.constant 1 : i32
        %add3A_364 = vector.broadcast %add3A_363 : i32 to vector<16xi32>
        %add3A_365 = arith.addi %while3A_301, %add3A_364 : vector<16xi32>
        scf.yield %min3A, %min3A_316, %min3A_317, %min3A_329, %min3A_331, %min3A_332, %min3A_344, %min3A_346, %min3A_347, %min3A_359, %min3A_361, %min3A_362, %add3A_365 : vector<16xf32>, vector<16xf32>, vector<16xf32>, vector<16xf32>, vector<16xf32>, vector<16xf32>, vector<16xf32>, vector<16xf32>, vector<16xf32>, vector<16xf32>, vector<16xf32>, vector<16xf32>, vector<16xi32>
      }
      %while3A_189 = arith.constant 1 : i32
      %while3A_190:13 = scf.for %while3A_288 = %while3A_186 to %while3A_182 step %while3A_189 iter_args(%while3A_289 = %while3A_188#0, %while3A_290 = %while3A_188#1, %while3A_291 = %while3A_188#2, %while3A_292 = %while3A_188#3, %while3A_293 = %while3A_188#4, %while3A_294 = %while3A_188#5, %while3A_295 = %while3A_188#6, %while3A_296 = %while3A_188#7, %while3A_297 = %while3A_188#8, %while3A_298 = %while3A_188#9, %while3A_299 = %while3A_188#10, %while3A_300 = %while3A_188#11, %while3A_301 = %while3A_188#12) -> (vector<16xf32>, vector<16xf32>, vector<16xf32>, vector<16xf32>, vector<16xf32>, vector<16xf32>, vector<16xf32>, vector<16xf32>, vector<16xf32>, vector<16xf32>, vector<16xf32>, vector<16xf32>, vector<16xi32>)  : i32 {
        %gather3A = tpu.vector_load_idx %arg7[%while3A_301] : memref<2048xf32, #tpu.memory_space<vmem>>[vector<16xi32>], vector<16xf32>,
        %gather3A_302 = tpu.vector_load_idx %arg8[%while3A_301] : memref<2048xf32, #tpu.memory_space<vmem>>[vector<16xi32>], vector<16xf32>,
        %gather3A_303 = tpu.vector_load_idx %arg9[%while3A_301] : memref<2048xf32, #tpu.memory_space<vmem>>[vector<16xi32>], vector<16xf32>,
        %gather3A_304 = tpu.vector_load_idx %arg10[%while3A_301] : memref<2048xf32, #tpu.memory_space<vmem>>[vector<16xi32>], vector<16xf32>,
        %mul3A_305 = arith.mulf %gather3A, %mul3A_73 : vector<16xf32>
        %add3A_306 = arith.addf %gather3A_304, %mul3A_305 : vector<16xf32>
        %mul3A_307 = arith.mulf %gather3A_302, %mul3A_101 : vector<16xf32>
        %add3A_308 = arith.addf %add3A_306, %mul3A_307 : vector<16xf32>
        %mul3A_309 = arith.mulf %gather3A_303, %mul3A_129 : vector<16xf32>
        %add3A_310 = arith.addf %add3A_308, %mul3A_309 : vector<16xf32>
        %eq3A_311 = arith.cmpi eq, %while3A_301, %add3A_154 : vector<16xi32>
        %jit3A_312 = arith.constant 0x7F800000 : f32
        %broadcast_in_dim3A_313 = vector.broadcast %jit3A_312 : f32 to vector<16xf32>
        %select_n3A_314 = arith.select %eq3A_311, %broadcast_in_dim3A_313, %add3A_310 : vector<16xi1>, vector<16xf32>
        %max3A = arith.maximumf %select_n3A_314, %while3A_289 : vector<16xf32>
        %min3A = arith.minimumf %select_n3A_314, %while3A_289 : vector<16xf32>
        %max3A_315 = arith.maximumf %max3A, %while3A_290 : vector<16xf32>
        %min3A_316 = arith.minimumf %max3A, %while3A_290 : vector<16xf32>
        %min3A_317 = arith.minimumf %max3A_315, %while3A_291 : vector<16xf32>
        %mul3A_318 = arith.mulf %gather3A, %mul3A_80 : vector<16xf32>
        %add3A_319 = arith.addf %gather3A_304, %mul3A_318 : vector<16xf32>
        %mul3A_320 = arith.mulf %gather3A_302, %mul3A_108 : vector<16xf32>
        %add3A_321 = arith.addf %add3A_319, %mul3A_320 : vector<16xf32>
        %mul3A_322 = arith.mulf %gather3A_303, %mul3A_136 : vector<16xf32>
        %add3A_323 = arith.addf %add3A_321, %mul3A_322 : vector<16xf32>
        %eq3A_324 = arith.cmpi eq, %while3A_301, %add3A_158 : vector<16xi32>
        %jit3A_325 = arith.constant 0x7F800000 : f32
        %broadcast_in_dim3A_326 = vector.broadcast %jit3A_325 : f32 to vector<16xf32>
        %select_n3A_327 = arith.select %eq3A_324, %broadcast_in_dim3A_326, %add3A_323 : vector<16xi1>, vector<16xf32>
        %max3A_328 = arith.maximumf %select_n3A_327, %while3A_292 : vector<16xf32>
        %min3A_329 = arith.minimumf %select_n3A_327, %while3A_292 : vector<16xf32>
        %max3A_330 = arith.maximumf %max3A_328, %while3A_293 : vector<16xf32>
        %min3A_331 = arith.minimumf %max3A_328, %while3A_293 : vector<16xf32>
        %min3A_332 = arith.minimumf %max3A_330, %while3A_294 : vector<16xf32>
        %mul3A_333 = arith.mulf %gather3A, %mul3A_87 : vector<16xf32>
        %add3A_334 = arith.addf %gather3A_304, %mul3A_333 : vector<16xf32>
        %mul3A_335 = arith.mulf %gather3A_302, %mul3A_115 : vector<16xf32>
        %add3A_336 = arith.addf %add3A_334, %mul3A_335 : vector<16xf32>
        %mul3A_337 = arith.mulf %gather3A_303, %mul3A_143 : vector<16xf32>
        %add3A_338 = arith.addf %add3A_336, %mul3A_337 : vector<16xf32>
        %eq3A_339 = arith.cmpi eq, %while3A_301, %add3A_162 : vector<16xi32>
        %jit3A_340 = arith.constant 0x7F800000 : f32
        %broadcast_in_dim3A_341 = vector.broadcast %jit3A_340 : f32 to vector<16xf32>
        %select_n3A_342 = arith.select %eq3A_339, %broadcast_in_dim3A_341, %add3A_338 : vector<16xi1>, vector<16xf32>
        %max3A_343 = arith.maximumf %select_n3A_342, %while3A_295 : vector<16xf32>
        %min3A_344 = arith.minimumf %select_n3A_342, %while3A_295 : vector<16xf32>
        %max3A_345 = arith.maximumf %max3A_343, %while3A_296 : vector<16xf32>
        %min3A_346 = arith.minimumf %max3A_343, %while3A_296 : vector<16xf32>
        %min3A_347 = arith.minimumf %max3A_345, %while3A_297 : vector<16xf32>
        %mul3A_348 = arith.mulf %gather3A, %mul3A_94 : vector<16xf32>
        %add3A_349 = arith.addf %gather3A_304, %mul3A_348 : vector<16xf32>
        %mul3A_350 = arith.mulf %gather3A_302, %mul3A_122 : vector<16xf32>
        %add3A_351 = arith.addf %add3A_349, %mul3A_350 : vector<16xf32>
        %mul3A_352 = arith.mulf %gather3A_303, %mul3A_150 : vector<16xf32>
        %add3A_353 = arith.addf %add3A_351, %mul3A_352 : vector<16xf32>
        %eq3A_354 = arith.cmpi eq, %while3A_301, %add3A_166 : vector<16xi32>
        %jit3A_355 = arith.constant 0x7F800000 : f32
        %broadcast_in_dim3A_356 = vector.broadcast %jit3A_355 : f32 to vector<16xf32>
        %select_n3A_357 = arith.select %eq3A_354, %broadcast_in_dim3A_356, %add3A_353 : vector<16xi1>, vector<16xf32>
        %max3A_358 = arith.maximumf %select_n3A_357, %while3A_298 : vector<16xf32>
        %min3A_359 = arith.minimumf %select_n3A_357, %while3A_298 : vector<16xf32>
        %max3A_360 = arith.maximumf %max3A_358, %while3A_299 : vector<16xf32>
        %min3A_361 = arith.minimumf %max3A_358, %while3A_299 : vector<16xf32>
        %min3A_362 = arith.minimumf %max3A_360, %while3A_300 : vector<16xf32>
        %add3A_363 = arith.constant 1 : i32
        %add3A_364 = vector.broadcast %add3A_363 : i32 to vector<16xi32>
        %add3A_365 = arith.addi %while3A_301, %add3A_364 : vector<16xi32>
        scf.yield %min3A, %min3A_316, %min3A_317, %min3A_329, %min3A_331, %min3A_332, %min3A_344, %min3A_346, %min3A_347, %min3A_359, %min3A_361, %min3A_362, %add3A_365 : vector<16xf32>, vector<16xf32>, vector<16xf32>, vector<16xf32>, vector<16xf32>, vector<16xf32>, vector<16xf32>, vector<16xf32>, vector<16xf32>, vector<16xf32>, vector<16xf32>, vector<16xf32>, vector<16xi32>
      }
      %add3A_191 = arith.constant 64 : i32
      %add3A_192 = arith.addi %add3A_67, %add3A_191 : i32
      %while3A_193 = arith.constant 2048 : i32
      %while3A_194 = arith.subi %while3A_193, %add3A_192 : i32
      %while3A_195 = arith.addi %add3A_192, %while3A_194 : i32
      %while3A_196 = arith.constant 1 : i32
      %while3A_197 = arith.divsi %while3A_194, %while3A_196 : i32
      %while3A_198 = arith.muli %while3A_197, %while3A_196 : i32
      %while3A_199 = arith.addi %add3A_192, %while3A_198 : i32
      %while3A_200 = arith.constant 1 : i32
      %while3A_201:13 = scf.for %while3A_288 = %add3A_192 to %while3A_199 step %while3A_200 iter_args(%while3A_289 = %while3A_190#0, %while3A_290 = %while3A_190#1, %while3A_291 = %while3A_190#2, %while3A_292 = %while3A_190#3, %while3A_293 = %while3A_190#4, %while3A_294 = %while3A_190#5, %while3A_295 = %while3A_190#6, %while3A_296 = %while3A_190#7, %while3A_297 = %while3A_190#8, %while3A_298 = %while3A_190#9, %while3A_299 = %while3A_190#10, %while3A_300 = %while3A_190#11, %while3A_301 = %while3A_190#12) -> (vector<16xf32>, vector<16xf32>, vector<16xf32>, vector<16xf32>, vector<16xf32>, vector<16xf32>, vector<16xf32>, vector<16xf32>, vector<16xf32>, vector<16xf32>, vector<16xf32>, vector<16xf32>, vector<16xi32>)  : i32 {
        %gather3A = tpu.vector_load_idx %arg7[%while3A_301] : memref<2048xf32, #tpu.memory_space<vmem>>[vector<16xi32>], vector<16xf32>,
        %gather3A_302 = tpu.vector_load_idx %arg8[%while3A_301] : memref<2048xf32, #tpu.memory_space<vmem>>[vector<16xi32>], vector<16xf32>,
        %gather3A_303 = tpu.vector_load_idx %arg9[%while3A_301] : memref<2048xf32, #tpu.memory_space<vmem>>[vector<16xi32>], vector<16xf32>,
        %gather3A_304 = tpu.vector_load_idx %arg10[%while3A_301] : memref<2048xf32, #tpu.memory_space<vmem>>[vector<16xi32>], vector<16xf32>,
        %mul3A_305 = arith.mulf %gather3A, %mul3A_73 : vector<16xf32>
        %add3A_306 = arith.addf %gather3A_304, %mul3A_305 : vector<16xf32>
        %mul3A_307 = arith.mulf %gather3A_302, %mul3A_101 : vector<16xf32>
        %add3A_308 = arith.addf %add3A_306, %mul3A_307 : vector<16xf32>
        %mul3A_309 = arith.mulf %gather3A_303, %mul3A_129 : vector<16xf32>
        %add3A_310 = arith.addf %add3A_308, %mul3A_309 : vector<16xf32>
        %max3A = arith.maximumf %add3A_310, %while3A_289 : vector<16xf32>
        %min3A = arith.minimumf %add3A_310, %while3A_289 : vector<16xf32>
        %max3A_311 = arith.maximumf %max3A, %while3A_290 : vector<16xf32>
        %min3A_312 = arith.minimumf %max3A, %while3A_290 : vector<16xf32>
        %min3A_313 = arith.minimumf %max3A_311, %while3A_291 : vector<16xf32>
        %mul3A_314 = arith.mulf %gather3A, %mul3A_80 : vector<16xf32>
        %add3A_315 = arith.addf %gather3A_304, %mul3A_314 : vector<16xf32>
        %mul3A_316 = arith.mulf %gather3A_302, %mul3A_108 : vector<16xf32>
        %add3A_317 = arith.addf %add3A_315, %mul3A_316 : vector<16xf32>
        %mul3A_318 = arith.mulf %gather3A_303, %mul3A_136 : vector<16xf32>
        %add3A_319 = arith.addf %add3A_317, %mul3A_318 : vector<16xf32>
        %max3A_320 = arith.maximumf %add3A_319, %while3A_292 : vector<16xf32>
        %min3A_321 = arith.minimumf %add3A_319, %while3A_292 : vector<16xf32>
        %max3A_322 = arith.maximumf %max3A_320, %while3A_293 : vector<16xf32>
        %min3A_323 = arith.minimumf %max3A_320, %while3A_293 : vector<16xf32>
        %min3A_324 = arith.minimumf %max3A_322, %while3A_294 : vector<16xf32>
        %mul3A_325 = arith.mulf %gather3A, %mul3A_87 : vector<16xf32>
        %add3A_326 = arith.addf %gather3A_304, %mul3A_325 : vector<16xf32>
        %mul3A_327 = arith.mulf %gather3A_302, %mul3A_115 : vector<16xf32>
        %add3A_328 = arith.addf %add3A_326, %mul3A_327 : vector<16xf32>
        %mul3A_329 = arith.mulf %gather3A_303, %mul3A_143 : vector<16xf32>
        %add3A_330 = arith.addf %add3A_328, %mul3A_329 : vector<16xf32>
        %max3A_331 = arith.maximumf %add3A_330, %while3A_295 : vector<16xf32>
        %min3A_332 = arith.minimumf %add3A_330, %while3A_295 : vector<16xf32>
        %max3A_333 = arith.maximumf %max3A_331, %while3A_296 : vector<16xf32>
        %min3A_334 = arith.minimumf %max3A_331, %while3A_296 : vector<16xf32>
        %min3A_335 = arith.minimumf %max3A_333, %while3A_297 : vector<16xf32>
        %mul3A_336 = arith.mulf %gather3A, %mul3A_94 : vector<16xf32>
        %add3A_337 = arith.addf %gather3A_304, %mul3A_336 : vector<16xf32>
        %mul3A_338 = arith.mulf %gather3A_302, %mul3A_122 : vector<16xf32>
        %add3A_339 = arith.addf %add3A_337, %mul3A_338 : vector<16xf32>
        %mul3A_340 = arith.mulf %gather3A_303, %mul3A_150 : vector<16xf32>
        %add3A_341 = arith.addf %add3A_339, %mul3A_340 : vector<16xf32>
        %max3A_342 = arith.maximumf %add3A_341, %while3A_298 : vector<16xf32>
        %min3A_343 = arith.minimumf %add3A_341, %while3A_298 : vector<16xf32>
        %max3A_344 = arith.maximumf %max3A_342, %while3A_299 : vector<16xf32>
        %min3A_345 = arith.minimumf %max3A_342, %while3A_299 : vector<16xf32>
        %min3A_346 = arith.minimumf %max3A_344, %while3A_300 : vector<16xf32>
        %add3A_347 = arith.constant 1 : i32
        %add3A_348 = vector.broadcast %add3A_347 : i32 to vector<16xi32>
        %add3A_349 = arith.addi %while3A_301, %add3A_348 : vector<16xi32>
        scf.yield %min3A, %min3A_312, %min3A_313, %min3A_321, %min3A_323, %min3A_324, %min3A_332, %min3A_334, %min3A_335, %min3A_343, %min3A_345, %min3A_346, %add3A_349 : vector<16xf32>, vector<16xf32>, vector<16xf32>, vector<16xf32>, vector<16xf32>, vector<16xf32>, vector<16xf32>, vector<16xf32>, vector<16xf32>, vector<16xf32>, vector<16xf32>, vector<16xf32>, vector<16xi32>
      }
      %while3A_202 = arith.constant 1 : i32
      %while3A_203:13 = scf.for %while3A_288 = %while3A_199 to %while3A_195 step %while3A_202 iter_args(%while3A_289 = %while3A_201#0, %while3A_290 = %while3A_201#1, %while3A_291 = %while3A_201#2, %while3A_292 = %while3A_201#3, %while3A_293 = %while3A_201#4, %while3A_294 = %while3A_201#5, %while3A_295 = %while3A_201#6, %while3A_296 = %while3A_201#7, %while3A_297 = %while3A_201#8, %while3A_298 = %while3A_201#9, %while3A_299 = %while3A_201#10, %while3A_300 = %while3A_201#11, %while3A_301 = %while3A_201#12) -> (vector<16xf32>, vector<16xf32>, vector<16xf32>, vector<16xf32>, vector<16xf32>, vector<16xf32>, vector<16xf32>, vector<16xf32>, vector<16xf32>, vector<16xf32>, vector<16xf32>, vector<16xf32>, vector<16xi32>)  : i32 {
        %gather3A = tpu.vector_load_idx %arg7[%while3A_301] : memref<2048xf32, #tpu.memory_space<vmem>>[vector<16xi32>], vector<16xf32>,
        %gather3A_302 = tpu.vector_load_idx %arg8[%while3A_301] : memref<2048xf32, #tpu.memory_space<vmem>>[vector<16xi32>], vector<16xf32>,
        %gather3A_303 = tpu.vector_load_idx %arg9[%while3A_301] : memref<2048xf32, #tpu.memory_space<vmem>>[vector<16xi32>], vector<16xf32>,
        %gather3A_304 = tpu.vector_load_idx %arg10[%while3A_301] : memref<2048xf32, #tpu.memory_space<vmem>>[vector<16xi32>], vector<16xf32>,
        %mul3A_305 = arith.mulf %gather3A, %mul3A_73 : vector<16xf32>
        %add3A_306 = arith.addf %gather3A_304, %mul3A_305 : vector<16xf32>
        %mul3A_307 = arith.mulf %gather3A_302, %mul3A_101 : vector<16xf32>
        %add3A_308 = arith.addf %add3A_306, %mul3A_307 : vector<16xf32>
        %mul3A_309 = arith.mulf %gather3A_303, %mul3A_129 : vector<16xf32>
        %add3A_310 = arith.addf %add3A_308, %mul3A_309 : vector<16xf32>
        %max3A = arith.maximumf %add3A_310, %while3A_289 : vector<16xf32>
        %min3A = arith.minimumf %add3A_310, %while3A_289 : vector<16xf32>
        %max3A_311 = arith.maximumf %max3A, %while3A_290 : vector<16xf32>
        %min3A_312 = arith.minimumf %max3A, %while3A_290 : vector<16xf32>
        %min3A_313 = arith.minimumf %max3A_311, %while3A_291 : vector<16xf32>
        %mul3A_314 = arith.mulf %gather3A, %mul3A_80 : vector<16xf32>
        %add3A_315 = arith.addf %gather3A_304, %mul3A_314 : vector<16xf32>
        %mul3A_316 = arith.mulf %gather3A_302, %mul3A_108 : vector<16xf32>
        %add3A_317 = arith.addf %add3A_315, %mul3A_316 : vector<16xf32>
        %mul3A_318 = arith.mulf %gather3A_303, %mul3A_136 : vector<16xf32>
        %add3A_319 = arith.addf %add3A_317, %mul3A_318 : vector<16xf32>
        %max3A_320 = arith.maximumf %add3A_319, %while3A_292 : vector<16xf32>
        %min3A_321 = arith.minimumf %add3A_319, %while3A_292 : vector<16xf32>
        %max3A_322 = arith.maximumf %max3A_320, %while3A_293 : vector<16xf32>
        %min3A_323 = arith.minimumf %max3A_320, %while3A_293 : vector<16xf32>
        %min3A_324 = arith.minimumf %max3A_322, %while3A_294 : vector<16xf32>
        %mul3A_325 = arith.mulf %gather3A, %mul3A_87 : vector<16xf32>
        %add3A_326 = arith.addf %gather3A_304, %mul3A_325 : vector<16xf32>
        %mul3A_327 = arith.mulf %gather3A_302, %mul3A_115 : vector<16xf32>
        %add3A_328 = arith.addf %add3A_326, %mul3A_327 : vector<16xf32>
        %mul3A_329 = arith.mulf %gather3A_303, %mul3A_143 : vector<16xf32>
        %add3A_330 = arith.addf %add3A_328, %mul3A_329 : vector<16xf32>
        %max3A_331 = arith.maximumf %add3A_330, %while3A_295 : vector<16xf32>
        %min3A_332 = arith.minimumf %add3A_330, %while3A_295 : vector<16xf32>
        %max3A_333 = arith.maximumf %max3A_331, %while3A_296 : vector<16xf32>
        %min3A_334 = arith.minimumf %max3A_331, %while3A_296 : vector<16xf32>
        %min3A_335 = arith.minimumf %max3A_333, %while3A_297 : vector<16xf32>
        %mul3A_336 = arith.mulf %gather3A, %mul3A_94 : vector<16xf32>
        %add3A_337 = arith.addf %gather3A_304, %mul3A_336 : vector<16xf32>
        %mul3A_338 = arith.mulf %gather3A_302, %mul3A_122 : vector<16xf32>
        %add3A_339 = arith.addf %add3A_337, %mul3A_338 : vector<16xf32>
        %mul3A_340 = arith.mulf %gather3A_303, %mul3A_150 : vector<16xf32>
        %add3A_341 = arith.addf %add3A_339, %mul3A_340 : vector<16xf32>
        %max3A_342 = arith.maximumf %add3A_341, %while3A_298 : vector<16xf32>
        %min3A_343 = arith.minimumf %add3A_341, %while3A_298 : vector<16xf32>
        %max3A_344 = arith.maximumf %max3A_342, %while3A_299 : vector<16xf32>
        %min3A_345 = arith.minimumf %max3A_342, %while3A_299 : vector<16xf32>
        %min3A_346 = arith.minimumf %max3A_344, %while3A_300 : vector<16xf32>
        %add3A_347 = arith.constant 1 : i32
        %add3A_348 = vector.broadcast %add3A_347 : i32 to vector<16xi32>
        %add3A_349 = arith.addi %while3A_301, %add3A_348 : vector<16xi32>
        scf.yield %min3A, %min3A_312, %min3A_313, %min3A_321, %min3A_323, %min3A_324, %min3A_332, %min3A_334, %min3A_335, %min3A_343, %min3A_345, %min3A_346, %add3A_349 : vector<16xf32>, vector<16xf32>, vector<16xf32>, vector<16xf32>, vector<16xf32>, vector<16xf32>, vector<16xf32>, vector<16xf32>, vector<16xf32>, vector<16xf32>, vector<16xf32>, vector<16xf32>, vector<16xi32>
      }
      %add3A_204 = arith.constant 0 : i32
      %add3A_205 = arith.addi %add3A_67, %add3A_204 : i32
      %get3A_206 = arith.index_cast %add3A_205 : i32 to index
      %get3A_207 = tpu.vector_load %arg10[%get3A_206] {strides = array<i32>} : memref<2048xf32, #tpu.memory_space<vmem>>, vector<16xf32>,
      %mul3A_208 = arith.constant 64 : i32
      %mul3A_209 = arith.muli %scan3A_63, %mul3A_208 : i32
      %add3A_210 = arith.constant 0 : i32
      %add3A_211 = arith.addi %mul3A_209, %add3A_210 : i32
      %add3A_212 = arith.addf %while3A_203#0, %get3A_207 : vector<16xf32>
      %swap3A = arith.index_cast %add3A_211 : i32 to index
      %swap3A_213 = tpu.vector_load %arg11[%swap3A] {strides = array<i32>} : memref<768xf32, #tpu.memory_space<vmem>>, vector<16xf32>,
      tpu.vector_store %arg11[%swap3A], %add3A_212 {strides = array<i32>} : memref<768xf32, #tpu.memory_space<vmem>>, vector<16xf32>,
      %add3A_214 = arith.addf %while3A_203#1, %get3A_207 : vector<16xf32>
      %add3A_215 = arith.constant 256 : i32
      %add3A_216 = arith.addi %add3A_215, %add3A_211 : i32
      %swap3A_217 = arith.index_cast %add3A_216 : i32 to index
      %swap3A_218 = tpu.vector_load %arg11[%swap3A_217] {strides = array<i32>} : memref<768xf32, #tpu.memory_space<vmem>>, vector<16xf32>,
      tpu.vector_store %arg11[%swap3A_217], %add3A_214 {strides = array<i32>} : memref<768xf32, #tpu.memory_space<vmem>>, vector<16xf32>,
      %add3A_219 = arith.addf %while3A_203#2, %get3A_207 : vector<16xf32>
      %add3A_220 = arith.constant 512 : i32
      %add3A_221 = arith.addi %add3A_220, %add3A_211 : i32
      %swap3A_222 = arith.index_cast %add3A_221 : i32 to index
      %swap3A_223 = tpu.vector_load %arg11[%swap3A_222] {strides = array<i32>} : memref<768xf32, #tpu.memory_space<vmem>>, vector<16xf32>,
      tpu.vector_store %arg11[%swap3A_222], %add3A_219 {strides = array<i32>} : memref<768xf32, #tpu.memory_space<vmem>>, vector<16xf32>,
      %add3A_224 = arith.constant 16 : i32
      %add3A_225 = arith.addi %add3A_67, %add3A_224 : i32
      %get3A_226 = arith.index_cast %add3A_225 : i32 to index
      %get3A_227 = tpu.vector_load %arg10[%get3A_226] {strides = array<i32>} : memref<2048xf32, #tpu.memory_space<vmem>>, vector<16xf32>,
      %mul3A_228 = arith.constant 64 : i32
      %mul3A_229 = arith.muli %scan3A_63, %mul3A_228 : i32
      %add3A_230 = arith.constant 16 : i32
      %add3A_231 = arith.addi %mul3A_229, %add3A_230 : i32
      %add3A_232 = arith.addf %while3A_203#3, %get3A_227 : vector<16xf32>
      %swap3A_233 = arith.index_cast %add3A_231 : i32 to index
      %swap3A_234 = tpu.vector_load %arg11[%swap3A_233] {strides = array<i32>} : memref<768xf32, #tpu.memory_space<vmem>>, vector<16xf32>,
      tpu.vector_store %arg11[%swap3A_233], %add3A_232 {strides = array<i32>} : memref<768xf32, #tpu.memory_space<vmem>>, vector<16xf32>,
      %add3A_235 = arith.addf %while3A_203#4, %get3A_227 : vector<16xf32>
      %add3A_236 = arith.constant 256 : i32
      %add3A_237 = arith.addi %add3A_236, %add3A_231 : i32
      %swap3A_238 = arith.index_cast %add3A_237 : i32 to index
      %swap3A_239 = tpu.vector_load %arg11[%swap3A_238] {strides = array<i32>} : memref<768xf32, #tpu.memory_space<vmem>>, vector<16xf32>,
      tpu.vector_store %arg11[%swap3A_238], %add3A_235 {strides = array<i32>} : memref<768xf32, #tpu.memory_space<vmem>>, vector<16xf32>,
      %add3A_240 = arith.addf %while3A_203#5, %get3A_227 : vector<16xf32>
      %add3A_241 = arith.constant 512 : i32
      %add3A_242 = arith.addi %add3A_241, %add3A_231 : i32
      %swap3A_243 = arith.index_cast %add3A_242 : i32 to index
      %swap3A_244 = tpu.vector_load %arg11[%swap3A_243] {strides = array<i32>} : memref<768xf32, #tpu.memory_space<vmem>>, vector<16xf32>,
      tpu.vector_store %arg11[%swap3A_243], %add3A_240 {strides = array<i32>} : memref<768xf32, #tpu.memory_space<vmem>>, vector<16xf32>,
      %add3A_245 = arith.constant 32 : i32
      %add3A_246 = arith.addi %add3A_67, %add3A_245 : i32
      %get3A_247 = arith.index_cast %add3A_246 : i32 to index
      %get3A_248 = tpu.vector_load %arg10[%get3A_247] {strides = array<i32>} : memref<2048xf32, #tpu.memory_space<vmem>>, vector<16xf32>,
      %mul3A_249 = arith.constant 64 : i32
      %mul3A_250 = arith.muli %scan3A_63, %mul3A_249 : i32
      %add3A_251 = arith.constant 32 : i32
      %add3A_252 = arith.addi %mul3A_250, %add3A_251 : i32
      %add3A_253 = arith.addf %while3A_203#6, %get3A_248 : vector<16xf32>
      %swap3A_254 = arith.index_cast %add3A_252 : i32 to index
      %swap3A_255 = tpu.vector_load %arg11[%swap3A_254] {strides = array<i32>} : memref<768xf32, #tpu.memory_space<vmem>>, vector<16xf32>,
      tpu.vector_store %arg11[%swap3A_254], %add3A_253 {strides = array<i32>} : memref<768xf32, #tpu.memory_space<vmem>>, vector<16xf32>,
      %add3A_256 = arith.addf %while3A_203#7, %get3A_248 : vector<16xf32>
      %add3A_257 = arith.constant 256 : i32
      %add3A_258 = arith.addi %add3A_257, %add3A_252 : i32
      %swap3A_259 = arith.index_cast %add3A_258 : i32 to index
      %swap3A_260 = tpu.vector_load %arg11[%swap3A_259] {strides = array<i32>} : memref<768xf32, #tpu.memory_space<vmem>>, vector<16xf32>,
      tpu.vector_store %arg11[%swap3A_259], %add3A_256 {strides = array<i32>} : memref<768xf32, #tpu.memory_space<vmem>>, vector<16xf32>,
      %add3A_261 = arith.addf %while3A_203#8, %get3A_248 : vector<16xf32>
      %add3A_262 = arith.constant 512 : i32
      %add3A_263 = arith.addi %add3A_262, %add3A_252 : i32
      %swap3A_264 = arith.index_cast %add3A_263 : i32 to index
      %swap3A_265 = tpu.vector_load %arg11[%swap3A_264] {strides = array<i32>} : memref<768xf32, #tpu.memory_space<vmem>>, vector<16xf32>,
      tpu.vector_store %arg11[%swap3A_264], %add3A_261 {strides = array<i32>} : memref<768xf32, #tpu.memory_space<vmem>>, vector<16xf32>,
      %add3A_266 = arith.constant 48 : i32
      %add3A_267 = arith.addi %add3A_67, %add3A_266 : i32
      %get3A_268 = arith.index_cast %add3A_267 : i32 to index
      %get3A_269 = tpu.vector_load %arg10[%get3A_268] {strides = array<i32>} : memref<2048xf32, #tpu.memory_space<vmem>>, vector<16xf32>,
      %mul3A_270 = arith.constant 64 : i32
      %mul3A_271 = arith.muli %scan3A_63, %mul3A_270 : i32
      %add3A_272 = arith.constant 48 : i32
      %add3A_273 = arith.addi %mul3A_271, %add3A_272 : i32
      %add3A_274 = arith.addf %while3A_203#9, %get3A_269 : vector<16xf32>
      %swap3A_275 = arith.index_cast %add3A_273 : i32 to index
      %swap3A_276 = tpu.vector_load %arg11[%swap3A_275] {strides = array<i32>} : memref<768xf32, #tpu.memory_space<vmem>>, vector<16xf32>,
      tpu.vector_store %arg11[%swap3A_275], %add3A_274 {strides = array<i32>} : memref<768xf32, #tpu.memory_space<vmem>>, vector<16xf32>,
      %add3A_277 = arith.addf %while3A_203#10, %get3A_269 : vector<16xf32>
      %add3A_278 = arith.constant 256 : i32
      %add3A_279 = arith.addi %add3A_278, %add3A_273 : i32
      %swap3A_280 = arith.index_cast %add3A_279 : i32 to index
      %swap3A_281 = tpu.vector_load %arg11[%swap3A_280] {strides = array<i32>} : memref<768xf32, #tpu.memory_space<vmem>>, vector<16xf32>,
      tpu.vector_store %arg11[%swap3A_280], %add3A_277 {strides = array<i32>} : memref<768xf32, #tpu.memory_space<vmem>>, vector<16xf32>,
      %add3A_282 = arith.addf %while3A_203#11, %get3A_269 : vector<16xf32>
      %add3A_283 = arith.constant 512 : i32
      %add3A_284 = arith.addi %add3A_283, %add3A_273 : i32
      %swap3A_285 = arith.index_cast %add3A_284 : i32 to index
      %swap3A_286 = tpu.vector_load %arg11[%swap3A_285] {strides = array<i32>} : memref<768xf32, #tpu.memory_space<vmem>>, vector<16xf32>,
      tpu.vector_store %arg11[%swap3A_285], %add3A_282 {strides = array<i32>} : memref<768xf32, #tpu.memory_space<vmem>>, vector<16xf32>,
      %scan3A_287 = arith.constant 0 : i32
      scf.yield %scan3A_287 : i32
    }
    %scan3A_47 = arith.constant 4 : i32
    %mul3A_48 = arith.constant 2048 : i32
    %mul3A_49 = arith.muli %select_n3A, %mul3A_48 : i32
    %add3A_50 = arith.constant 0 : i32
    %add3A_51 = arith.addi %add3A_50, %mul3A_49 : i32
    %add3A_52 = arith.addi %add3A_51, %mul3A_32 : i32
    "tpu.region"() ({
      %run_scoped3A = tpu.sem_alloc : memref<!tpu.dma_semaphore, #tpu.memory_space<semaphore_mem>>
      %dma_start3A = arith.constant 0 : i32
      %dma_start3A_63 = tpu.memref_slice %arg11[%dma_start3A] : memref<768xf32, #tpu.memory_space<vmem>> -> memref<256xf32, #tpu.memory_space<vmem>>
      %dma_start3A_64 = tpu.memref_slice %arg6[%add3A_52] : memref<24576xf32, #tpu.memory_space<hbm>> -> memref<256xf32, #tpu.memory_space<hbm>>
      %dma_start3A_65 = tpu.memref_slice %arg6[%add3A_52] : memref<24576xf32, #tpu.memory_space<hbm>> -> memref<256xf32, #tpu.memory_space<hbm>>
      %dma_start3A_66 = arith.constant 0 : i32
      %dma_start3A_67 = tpu.memref_slice %arg11[%dma_start3A_66] : memref<768xf32, #tpu.memory_space<vmem>> -> memref<256xf32, #tpu.memory_space<vmem>>
      tpu.enqueue_dma source(%dma_start3A_67 : memref<256xf32, #tpu.memory_space<vmem>>) target(%dma_start3A_65 : memref<256xf32, #tpu.memory_space<hbm>>) target_semaphore(%run_scoped3A : memref<!tpu.dma_semaphore, #tpu.memory_space<semaphore_mem>>)
      %dma_wait3A = arith.constant 0 : i32
      %dma_wait3A_68 = tpu.memref_slice %arg11[%dma_wait3A] : memref<768xf32, #tpu.memory_space<vmem>> -> memref<256xf32, #tpu.memory_space<vmem>>
      %dma_wait3A_69 = tpu.memref_slice %arg6[%add3A_52] : memref<24576xf32, #tpu.memory_space<hbm>> -> memref<256xf32, #tpu.memory_space<hbm>>
      %dma_wait3A_70 = tpu.memref_slice %arg6[%add3A_52] : memref<24576xf32, #tpu.memory_space<hbm>> -> memref<256xf32, #tpu.memory_space<hbm>>
      %dma_wait3A_71 = arith.constant 0 : i32
      %dma_wait3A_72 = tpu.memref_slice %arg11[%dma_wait3A_71] : memref<768xf32, #tpu.memory_space<vmem>> -> memref<256xf32, #tpu.memory_space<vmem>>
      tpu.wait_dma2 semaphore(%run_scoped3A : memref<!tpu.dma_semaphore, #tpu.memory_space<semaphore_mem>>) src(%dma_wait3A_72 : memref<256xf32, #tpu.memory_space<vmem>>) dst(%dma_wait3A_70 : memref<256xf32, #tpu.memory_space<hbm>>)
      tpu.yield
    }) : () -> ()
    %mul3A_53 = arith.constant 2048 : i32
    %mul3A_54 = arith.muli %select_n3A, %mul3A_53 : i32
    %add3A_55 = arith.constant 8192 : i32
    %add3A_56 = arith.addi %add3A_55, %mul3A_54 : i32
    %add3A_57 = arith.addi %add3A_56, %mul3A_32 : i32
    "tpu.region"() ({
      %run_scoped3A = tpu.sem_alloc : memref<!tpu.dma_semaphore, #tpu.memory_space<semaphore_mem>>
      %dma_start3A = arith.constant 256 : i32
      %dma_start3A_63 = tpu.memref_slice %arg11[%dma_start3A] : memref<768xf32, #tpu.memory_space<vmem>> -> memref<256xf32, #tpu.memory_space<vmem>>
      %dma_start3A_64 = tpu.memref_slice %arg6[%add3A_57] : memref<24576xf32, #tpu.memory_space<hbm>> -> memref<256xf32, #tpu.memory_space<hbm>>
      %dma_start3A_65 = tpu.memref_slice %arg6[%add3A_57] : memref<24576xf32, #tpu.memory_space<hbm>> -> memref<256xf32, #tpu.memory_space<hbm>>
      %dma_start3A_66 = arith.constant 256 : i32
      %dma_start3A_67 = tpu.memref_slice %arg11[%dma_start3A_66] : memref<768xf32, #tpu.memory_space<vmem>> -> memref<256xf32, #tpu.memory_space<vmem>>
      tpu.enqueue_dma source(%dma_start3A_67 : memref<256xf32, #tpu.memory_space<vmem>>) target(%dma_start3A_65 : memref<256xf32, #tpu.memory_space<hbm>>) target_semaphore(%run_scoped3A : memref<!tpu.dma_semaphore, #tpu.memory_space<semaphore_mem>>)
      %dma_wait3A = arith.constant 256 : i32
      %dma_wait3A_68 = tpu.memref_slice %arg11[%dma_wait3A] : memref<768xf32, #tpu.memory_space<vmem>> -> memref<256xf32, #tpu.memory_space<vmem>>
      %dma_wait3A_69 = tpu.memref_slice %arg6[%add3A_57] : memref<24576xf32, #tpu.memory_space<hbm>> -> memref<256xf32, #tpu.memory_space<hbm>>
      %dma_wait3A_70 = tpu.memref_slice %arg6[%add3A_57] : memref<24576xf32, #tpu.memory_space<hbm>> -> memref<256xf32, #tpu.memory_space<hbm>>
      %dma_wait3A_71 = arith.constant 256 : i32
      %dma_wait3A_72 = tpu.memref_slice %arg11[%dma_wait3A_71] : memref<768xf32, #tpu.memory_space<vmem>> -> memref<256xf32, #tpu.memory_space<vmem>>
      tpu.wait_dma2 semaphore(%run_scoped3A : memref<!tpu.dma_semaphore, #tpu.memory_space<semaphore_mem>>) src(%dma_wait3A_72 : memref<256xf32, #tpu.memory_space<vmem>>) dst(%dma_wait3A_70 : memref<256xf32, #tpu.memory_space<hbm>>)
      tpu.yield
    }) : () -> ()
    %mul3A_58 = arith.constant 2048 : i32
    %mul3A_59 = arith.muli %select_n3A, %mul3A_58 : i32
    %add3A_60 = arith.constant 16384 : i32
    %add3A_61 = arith.addi %add3A_60, %mul3A_59 : i32
    %add3A_62 = arith.addi %add3A_61, %mul3A_32 : i32
    "tpu.region"() ({
      %run_scoped3A = tpu.sem_alloc : memref<!tpu.dma_semaphore, #tpu.memory_space<semaphore_mem>>
      %dma_start3A = arith.constant 512 : i32
      %dma_start3A_63 = tpu.memref_slice %arg11[%dma_start3A] : memref<768xf32, #tpu.memory_space<vmem>> -> memref<256xf32, #tpu.memory_space<vmem>>
      %dma_start3A_64 = tpu.memref_slice %arg6[%add3A_62] : memref<24576xf32, #tpu.memory_space<hbm>> -> memref<256xf32, #tpu.memory_space<hbm>>
      %dma_start3A_65 = tpu.memref_slice %arg6[%add3A_62] : memref<24576xf32, #tpu.memory_space<hbm>> -> memref<256xf32, #tpu.memory_space<hbm>>
      %dma_start3A_66 = arith.constant 512 : i32
      %dma_start3A_67 = tpu.memref_slice %arg11[%dma_start3A_66] : memref<768xf32, #tpu.memory_space<vmem>> -> memref<256xf32, #tpu.memory_space<vmem>>
      tpu.enqueue_dma source(%dma_start3A_67 : memref<256xf32, #tpu.memory_space<vmem>>) target(%dma_start3A_65 : memref<256xf32, #tpu.memory_space<hbm>>) target_semaphore(%run_scoped3A : memref<!tpu.dma_semaphore, #tpu.memory_space<semaphore_mem>>)
      %dma_wait3A = arith.constant 512 : i32
      %dma_wait3A_68 = tpu.memref_slice %arg11[%dma_wait3A] : memref<768xf32, #tpu.memory_space<vmem>> -> memref<256xf32, #tpu.memory_space<vmem>>
      %dma_wait3A_69 = tpu.memref_slice %arg6[%add3A_62] : memref<24576xf32, #tpu.memory_space<hbm>> -> memref<256xf32, #tpu.memory_space<hbm>>
      %dma_wait3A_70 = tpu.memref_slice %arg6[%add3A_62] : memref<24576xf32, #tpu.memory_space<hbm>> -> memref<256xf32, #tpu.memory_space<hbm>>
      %dma_wait3A_71 = arith.constant 512 : i32
      %dma_wait3A_72 = tpu.memref_slice %arg11[%dma_wait3A_71] : memref<768xf32, #tpu.memory_space<vmem>> -> memref<256xf32, #tpu.memory_space<vmem>>
      tpu.wait_dma2 semaphore(%run_scoped3A : memref<!tpu.dma_semaphore, #tpu.memory_space<semaphore_mem>>) src(%dma_wait3A_72 : memref<256xf32, #tpu.memory_space<vmem>>) dst(%dma_wait3A_70 : memref<256xf32, #tpu.memory_space<hbm>>)
      tpu.yield
    }) : () -> ()
    return
  }
}

module attributes {stable_mosaic.version = 14 : i64} {
  func.func @_tc_top3_body(%arg0: i32, %arg1: i32, %arg2: memref<1x256x3xf32, #tpu.memory_space<vmem>>, %arg3: memref<1x3x2048xf32, #tpu.memory_space<vmem>>, %arg4: memref<1x256x3xf32, #tpu.memory_space<vmem>>) attributes {dimension_semantics = [#tpu.dimension_semantics<parallel>, #tpu.dimension_semantics<arbitrary>], iteration_bounds = array<i64: 12, 8>, scalar_prefetch = 0 : i64, scratch_operands = 0 : i64, tpu.core_type = #tpu.core_type<tc>, window_params = [{transform_indices = @transform_0, window_bounds = array<i64: 1, 256, 3>}, {transform_indices = @transform_1, window_bounds = array<i64: 1, 3, 2048>}, {transform_indices = @transform_2, window_bounds = array<i64: 1, 256, 3>}]} {
    %get3A = arith.constant 0 : index
    %get3A_0 = arith.constant 0 : index
    %get3A_1 = arith.constant 0 : index
    %get3A_2 = vector.load %arg2[%get3A, %get3A_0, %get3A_1] : memref<1x256x3xf32, #tpu.memory_space<vmem>>, vector<1x256x3xf32>
    %get3A_3 = vector.shape_cast %get3A_2 : vector<1x256x3xf32> to vector<256x3xf32>
    %get3A_4 = arith.constant 0 : index
    %get3A_5 = arith.constant 0 : index
    %get3A_6 = arith.constant 0 : index
    %get3A_7 = vector.load %arg3[%get3A_4, %get3A_5, %get3A_6] : memref<1x3x2048xf32, #tpu.memory_space<vmem>>, vector<1x3x2048xf32>
    %get3A_8 = vector.shape_cast %get3A_7 : vector<1x3x2048xf32> to vector<3x2048xf32>
    %mul3A = arith.mulf %get3A_3, %get3A_3 : vector<256x3xf32>
    %reduce_sum3A = arith.constant dense<0.000000e+00> : vector<256xf32>
    %reduce_sum3A_9 = vector.multi_reduction <add>, %mul3A, %reduce_sum3A [1] : vector<256x3xf32> to vector<256xf32>
    %broadcast_in_dim3A = vector.shape_cast %reduce_sum3A_9 : vector<256xf32> to vector<256x1xf32>
    %mul3A_10 = arith.mulf %get3A_8, %get3A_8 : vector<3x2048xf32>
    %reduce_sum3A_11 = arith.constant dense<0.000000e+00> : vector<2048xf32>
    %reduce_sum3A_12 = vector.multi_reduction <add>, %mul3A_10, %reduce_sum3A_11 [0] : vector<3x2048xf32> to vector<2048xf32>
    %broadcast_in_dim3A_13 = vector.shape_cast %reduce_sum3A_12 : vector<2048xf32> to vector<1x2048xf32>
    %dot_general3A = arith.constant dense<0.000000e+00> : vector<256x2048xf32>
    %dot_general3A_14 = tpu.matmul %get3A_3, %get3A_8, %dot_general3A {dimension_numbers = #tpu.dot_dimension_numbers<[1], [0], [0], [1], [0, 0, 1, 1], [], []>, transpose_lhs_hint = false} : vector<256x3xf32>, vector<3x2048xf32>, vector<256x2048xf32> -> vector<256x2048xf32>
    %add3A = vector.broadcast %broadcast_in_dim3A : vector<256x1xf32> to vector<256x2048xf32>
    %add3A_15 = vector.broadcast %broadcast_in_dim3A_13 : vector<1x2048xf32> to vector<256x2048xf32>
    %add3A_16 = arith.addf %add3A, %add3A_15 : vector<256x2048xf32>
    %mul3A_17 = arith.constant 2.000000e+00 : f32
    %mul3A_18 = vector.broadcast %mul3A_17 : f32 to vector<256x2048xf32>
    %mul3A_19 = arith.mulf %mul3A_18, %dot_general3A_14 : vector<256x2048xf32>
    %sub3A = arith.subf %add3A_16, %mul3A_19 : vector<256x2048xf32>
    %max3A = arith.constant 0.000000e+00 : f32
    %max3A_20 = vector.broadcast %max3A : f32 to vector<256x2048xf32>
    %max3A_21 = arith.maximumf %sub3A, %max3A_20 : vector<256x2048xf32>
    %mul3A_22 = arith.constant 256 : i32
    %mul3A_23 = arith.muli %arg1, %mul3A_22 : i32
    %iota3A = tpu.iota {dimensions = array<i32: 0>} : vector<256x1xi32>
    %add3A_24 = vector.broadcast %mul3A_23 : i32 to vector<256x1xi32>
    %add3A_25 = arith.addi %add3A_24, %iota3A : vector<256x1xi32>
    %iota3A_26 = tpu.iota {dimensions = array<i32: 1>} : vector<1x2048xi32>
    %eq3A = vector.broadcast %add3A_25 : vector<256x1xi32> to vector<256x2048xi32>
    %eq3A_27 = vector.broadcast %iota3A_26 : vector<1x2048xi32> to vector<256x2048xi32>
    %eq3A_28 = arith.cmpi eq, %eq3A, %eq3A_27 : vector<256x2048xi32>
    %jit3A = arith.constant 0x7F800000 : f32
    %broadcast_in_dim3A_29 = vector.broadcast %jit3A : f32 to vector<256x2048xf32>
    %select_n3A = arith.select %eq3A_28, %broadcast_in_dim3A_29, %max3A_21 : vector<256x2048xi1>, vector<256x2048xf32>
    %reduce_min3A = arith.constant dense<0x7F800000> : vector<256xf32>
    %reduce_min3A_30 = vector.multi_reduction <minimumf>, %select_n3A, %reduce_min3A [1] : vector<256x2048xf32> to vector<256xf32>
    %broadcast_in_dim3A_31 = vector.shape_cast %reduce_min3A_30 : vector<256xf32> to vector<256x1xf32>
    %le3A = vector.broadcast %broadcast_in_dim3A_31 : vector<256x1xf32> to vector<256x2048xf32>
    %le3A_32 = arith.cmpf ole, %select_n3A, %le3A : vector<256x2048xf32>
    %convert_element_type3A = arith.extui %le3A_32 : vector<256x2048xi1> to vector<256x2048xi32>
    %convert_element_type3A_33 = arith.sitofp %convert_element_type3A : vector<256x2048xi32> to vector<256x2048xf32>
    %reduce_sum3A_34 = arith.constant dense<0.000000e+00> : vector<256xf32>
    %reduce_sum3A_35 = vector.multi_reduction <add>, %convert_element_type3A_33, %reduce_sum3A_34 [1] : vector<256x2048xf32> to vector<256xf32>
    %broadcast_in_dim3A_36 = vector.shape_cast %reduce_sum3A_35 : vector<256xf32> to vector<256x1xf32>
    %jit3A_37 = arith.constant 0x7F800000 : f32
    %broadcast_in_dim3A_38 = vector.broadcast %jit3A_37 : f32 to vector<256x2048xf32>
    %select_n3A_39 = arith.select %le3A_32, %broadcast_in_dim3A_38, %select_n3A : vector<256x2048xi1>, vector<256x2048xf32>
    %reduce_min3A_40 = arith.constant dense<0x7F800000> : vector<256xf32>
    %reduce_min3A_41 = vector.multi_reduction <minimumf>, %select_n3A_39, %reduce_min3A_40 [1] : vector<256x2048xf32> to vector<256xf32>
    %broadcast_in_dim3A_42 = vector.shape_cast %reduce_min3A_41 : vector<256xf32> to vector<256x1xf32>
    %le3A_43 = vector.broadcast %broadcast_in_dim3A_42 : vector<256x1xf32> to vector<256x2048xf32>
    %le3A_44 = arith.cmpf ole, %select_n3A_39, %le3A_43 : vector<256x2048xf32>
    %convert_element_type3A_45 = arith.extui %le3A_44 : vector<256x2048xi1> to vector<256x2048xi32>
    %convert_element_type3A_46 = arith.sitofp %convert_element_type3A_45 : vector<256x2048xi32> to vector<256x2048xf32>
    %reduce_sum3A_47 = arith.constant dense<0.000000e+00> : vector<256xf32>
    %reduce_sum3A_48 = vector.multi_reduction <add>, %convert_element_type3A_46, %reduce_sum3A_47 [1] : vector<256x2048xf32> to vector<256xf32>
    %broadcast_in_dim3A_49 = vector.shape_cast %reduce_sum3A_48 : vector<256xf32> to vector<256x1xf32>
    %jit3A_50 = arith.constant 0x7F800000 : f32
    %broadcast_in_dim3A_51 = vector.broadcast %jit3A_50 : f32 to vector<256x2048xf32>
    %select_n3A_52 = arith.select %le3A_44, %broadcast_in_dim3A_51, %select_n3A_39 : vector<256x2048xi1>, vector<256x2048xf32>
    %reduce_min3A_53 = arith.constant dense<0x7F800000> : vector<256xf32>
    %reduce_min3A_54 = vector.multi_reduction <minimumf>, %select_n3A_52, %reduce_min3A_53 [1] : vector<256x2048xf32> to vector<256xf32>
    %broadcast_in_dim3A_55 = vector.shape_cast %reduce_min3A_54 : vector<256xf32> to vector<256x1xf32>
    %ge3A = arith.constant 2.000000e+00 : f32
    %ge3A_56 = vector.broadcast %ge3A : f32 to vector<256x1xf32>
    %ge3A_57 = arith.cmpf oge, %broadcast_in_dim3A_36, %ge3A_56 : vector<256x1xf32>
    %select_n3A_58 = arith.select %ge3A_57, %broadcast_in_dim3A_31, %broadcast_in_dim3A_42 : vector<256x1xi1>, vector<256x1xf32>
    %ge3A_59 = arith.constant 3.000000e+00 : f32
    %ge3A_60 = vector.broadcast %ge3A_59 : f32 to vector<256x1xf32>
    %ge3A_61 = arith.cmpf oge, %broadcast_in_dim3A_36, %ge3A_60 : vector<256x1xf32>
    %add3A_62 = arith.addf %broadcast_in_dim3A_36, %broadcast_in_dim3A_49 : vector<256x1xf32>
    %ge3A_63 = arith.constant 3.000000e+00 : f32
    %ge3A_64 = vector.broadcast %ge3A_63 : f32 to vector<256x1xf32>
    %ge3A_65 = arith.cmpf oge, %add3A_62, %ge3A_64 : vector<256x1xf32>
    %select_n3A_66 = arith.select %ge3A_65, %broadcast_in_dim3A_42, %broadcast_in_dim3A_55 : vector<256x1xi1>, vector<256x1xf32>
    %select_n3A_67 = arith.select %ge3A_61, %broadcast_in_dim3A_31, %select_n3A_66 : vector<256x1xi1>, vector<256x1xf32>
    %concatenate3A = tpu.concatenate %broadcast_in_dim3A_31, %select_n3A_58, %select_n3A_67 in 1 : vector<256x1xf32>, vector<256x1xf32>, vector<256x1xf32> -> vector<256x3xf32>
    %swap3A = arith.constant 0 : index
    %swap3A_68 = arith.constant 0 : index
    %swap3A_69 = arith.constant 0 : index
    %swap3A_70 = vector.load %arg4[%swap3A, %swap3A_68, %swap3A_69] : memref<1x256x3xf32, #tpu.memory_space<vmem>>, vector<1x256x3xf32>
    %swap3A_71 = vector.shape_cast %swap3A_70 : vector<1x256x3xf32> to vector<256x3xf32>
    %swap3A_72 = vector.shape_cast %concatenate3A : vector<256x3xf32> to vector<1x256x3xf32>
    tpu.vector_store %arg4[%swap3A, %swap3A_68, %swap3A_69], %swap3A_72 {strides = array<i32>} : memref<1x256x3xf32, #tpu.memory_space<vmem>>, vector<1x256x3xf32>,
    return
  }
  func.func @transform_0(%arg0: i32, %arg1: i32) -> (i32, i32, i32) {
    %c0_i32 = arith.constant 0 : i32
    %c0_i32_0 = arith.constant 0 : i32
    return %arg0, %arg1, %c0_i32 : i32, i32, i32
  }
  func.func @transform_1(%arg0: i32, %arg1: i32) -> (i32, i32, i32) {
    %c0_i32 = arith.constant 0 : i32
    %c0_i32_0 = arith.constant 0 : i32
    %c0_i32_1 = arith.constant 0 : i32
    return %arg0, %c0_i32, %c0_i32_0 : i32, i32, i32
  }
  func.func @transform_2(%arg0: i32, %arg1: i32) -> (i32, i32, i32) {
    %c0_i32 = arith.constant 0 : i32
    %c0_i32_0 = arith.constant 0 : i32
    return %arg0, %arg1, %c0_i32 : i32, i32, i32
  }
}

module attributes {stable_mosaic.version = 14 : i64} {
  func.func @_tc_body(%arg0: i32, %arg1: i32, %arg2: memref<1x2048x3xf32, #tpu.memory_space<vmem>>, %arg3: memref<1x3x2048xf32, #tpu.memory_space<vmem>>, %arg4: memref<1x2048x3xf32, #tpu.memory_space<vmem>>, %arg5: memref<3x128xf32, #tpu.memory_space<vmem>>, %arg6: memref<1x128xf32, #tpu.memory_space<vmem>>, %arg7: memref<1x128xf32, #tpu.memory_space<vmem>>, %arg8: memref<1x128xf32, #tpu.memory_space<vmem>>, %arg9: memref<1x128xf32, #tpu.memory_space<vmem>>, %arg10: memref<1x128xf32, #tpu.memory_space<vmem>>, %arg11: memref<384x384xf32, #tpu.memory_space<vmem>>, %arg12: memref<1x384xf32, #tpu.memory_space<vmem>>, %arg13: memref<1x2048x384xf32, #tpu.memory_space<vmem>>) attributes {dimension_semantics = [#tpu.dimension_semantics<parallel>, #tpu.dimension_semantics<arbitrary>], iteration_bounds = array<i64: 16, 1>, scalar_prefetch = 0 : i64, scratch_operands = 0 : i64, tpu.core_type = #tpu.core_type<tc>, window_params = [{transform_indices = @transform_0, window_bounds = array<i64: 1, 2048, 3>}, {transform_indices = @transform_1, window_bounds = array<i64: 1, 3, 2048>}, {transform_indices = @transform_2, window_bounds = array<i64: 1, 2048, 3>}, {pipeline_mode = #tpu.pipeline_mode<synchronous>, transform_indices = @transform_3, window_bounds = array<i64: 3, 128>}, {pipeline_mode = #tpu.pipeline_mode<synchronous>, transform_indices = @transform_4, window_bounds = array<i64: 1, 128>}, {pipeline_mode = #tpu.pipeline_mode<synchronous>, transform_indices = @transform_5, window_bounds = array<i64: 1, 128>}, {pipeline_mode = #tpu.pipeline_mode<synchronous>, transform_indices = @transform_6, window_bounds = array<i64: 1, 128>}, {pipeline_mode = #tpu.pipeline_mode<synchronous>, transform_indices = @transform_7, window_bounds = array<i64: 1, 128>}, {pipeline_mode = #tpu.pipeline_mode<synchronous>, transform_indices = @transform_8, window_bounds = array<i64: 1, 128>}, {pipeline_mode = #tpu.pipeline_mode<synchronous>, transform_indices = @transform_9, window_bounds = array<i64: 384, 384>}, {pipeline_mode = #tpu.pipeline_mode<synchronous>, transform_indices = @transform_10, window_bounds = array<i64: 1, 384>}, {transform_indices = @transform_11, window_bounds = array<i64: 1, 2048, 384>}]} {
    %get3A = arith.constant 0 : index
    %get3A_0 = arith.constant 0 : index
    %get3A_1 = arith.constant 0 : index
    %get3A_2 = vector.load %arg2[%get3A, %get3A_0, %get3A_1] : memref<1x2048x3xf32, #tpu.memory_space<vmem>>, vector<1x2048x3xf32>
    %get3A_3 = vector.shape_cast %get3A_2 : vector<1x2048x3xf32> to vector<2048x3xf32>
    %get3A_4 = arith.constant 0 : index
    %get3A_5 = arith.constant 0 : index
    %get3A_6 = arith.constant 0 : index
    %get3A_7 = vector.load %arg3[%get3A_4, %get3A_5, %get3A_6] : memref<1x3x2048xf32, #tpu.memory_space<vmem>>, vector<1x3x2048xf32>
    %get3A_8 = vector.shape_cast %get3A_7 : vector<1x3x2048xf32> to vector<3x2048xf32>
    %reduce_sum3A = arith.constant dense<0.000000e+00> : vector<3xf32>
    %reduce_sum3A_9 = vector.multi_reduction <add>, %get3A_8, %reduce_sum3A [1] : vector<3x2048xf32> to vector<3xf32>
    %div3A = arith.constant 2.048000e+03 : f32
    %div3A_10 = vector.broadcast %div3A : f32 to vector<3xf32>
    %div3A_11 = arith.divf %reduce_sum3A_9, %div3A_10 : vector<3xf32>
    %broadcast_in_dim3A = vector.shape_cast %div3A_11 : vector<3xf32> to vector<1x3xf32>
    %sub3A = vector.broadcast %broadcast_in_dim3A : vector<1x3xf32> to vector<2048x3xf32>
    %sub3A_12 = arith.subf %get3A_3, %sub3A : vector<2048x3xf32>
    %get3A_13 = arith.constant 0 : index
    %get3A_14 = arith.constant 0 : index
    %get3A_15 = vector.load %arg5[%get3A_13, %get3A_14] : memref<3x128xf32, #tpu.memory_space<vmem>>, vector<3x128xf32>
    %dot_general3A = arith.constant dense<0.000000e+00> : vector<2048x128xf32>
    %dot_general3A_16 = tpu.matmul %sub3A_12, %get3A_15, %dot_general3A {dimension_numbers = #tpu.dot_dimension_numbers<[1], [0], [0], [1], [0, 0, 1, 1], [], []>, transpose_lhs_hint = false} : vector<2048x3xf32>, vector<3x128xf32>, vector<2048x128xf32> -> vector<2048x128xf32>
    %get3A_17 = arith.constant 0 : index
    %get3A_18 = arith.constant 0 : index
    %get3A_19 = vector.load %arg6[%get3A_17, %get3A_18] : memref<1x128xf32, #tpu.memory_space<vmem>>, vector<1x128xf32>
    %add3A = vector.broadcast %get3A_19 : vector<1x128xf32> to vector<2048x128xf32>
    %add3A_20 = arith.addf %dot_general3A_16, %add3A : vector<2048x128xf32>
    %mul3A = arith.mulf %sub3A_12, %sub3A_12 : vector<2048x3xf32>
    %reduce_sum3A_21 = arith.constant dense<0.000000e+00> : vector<2048xf32>
    %reduce_sum3A_22 = vector.multi_reduction <add>, %mul3A, %reduce_sum3A_21 [1] : vector<2048x3xf32> to vector<2048xf32>
    %broadcast_in_dim3A_23 = vector.shape_cast %reduce_sum3A_22 : vector<2048xf32> to vector<2048x1xf32>
    %sqrt3A = math.sqrt %broadcast_in_dim3A_23 : vector<2048x1xf32>
    %get3A_24 = arith.constant 0 : index
    %get3A_25 = arith.constant 0 : index
    %get3A_26 = vector.load %arg7[%get3A_24, %get3A_25] : memref<1x128xf32, #tpu.memory_space<vmem>>, vector<1x128xf32>
    %mul3A_27 = vector.broadcast %sqrt3A : vector<2048x1xf32> to vector<2048x128xf32>
    %mul3A_28 = vector.broadcast %get3A_26 : vector<1x128xf32> to vector<2048x128xf32>
    %mul3A_29 = arith.mulf %mul3A_27, %mul3A_28 : vector<2048x128xf32>
    %get3A_30 = arith.constant 0 : index
    %get3A_31 = arith.constant 0 : index
    %get3A_32 = vector.load %arg8[%get3A_30, %get3A_31] : memref<1x128xf32, #tpu.memory_space<vmem>>, vector<1x128xf32>
    %add3A_33 = vector.broadcast %get3A_32 : vector<1x128xf32> to vector<2048x128xf32>
    %add3A_34 = arith.addf %mul3A_29, %add3A_33 : vector<2048x128xf32>
    %get3A_35 = arith.constant 0 : index
    %get3A_36 = arith.constant 0 : index
    %get3A_37 = arith.constant 0 : index
    %get3A_38 = vector.load %arg4[%get3A_35, %get3A_36, %get3A_37] : memref<1x2048x3xf32, #tpu.memory_space<vmem>>, vector<1x2048x3xf32>
    %get3A_39 = vector.shape_cast %get3A_38 : vector<1x2048x3xf32> to vector<2048x3xf32>
    %slice3A = vector.extract_strided_slice %get3A_39 {offsets = [0, 0], sizes = [2048, 1], strides = [1, 1]} : vector<2048x3xf32> to vector<2048x1xf32>
    %max3A = arith.constant 0.000000e+00 : f32
    %max3A_40 = vector.broadcast %max3A : f32 to vector<2048x1xf32>
    %max3A_41 = arith.maximumf %slice3A, %max3A_40 : vector<2048x1xf32>
    %slice3A_42 = vector.extract_strided_slice %get3A_39 {offsets = [0, 1], sizes = [2048, 1], strides = [1, 1]} : vector<2048x3xf32> to vector<2048x1xf32>
    %max3A_43 = arith.constant 0.000000e+00 : f32
    %max3A_44 = vector.broadcast %max3A_43 : f32 to vector<2048x1xf32>
    %max3A_45 = arith.maximumf %slice3A_42, %max3A_44 : vector<2048x1xf32>
    %slice3A_46 = vector.extract_strided_slice %get3A_39 {offsets = [0, 2], sizes = [2048, 1], strides = [1, 1]} : vector<2048x3xf32> to vector<2048x1xf32>
    %max3A_47 = arith.constant 0.000000e+00 : f32
    %max3A_48 = vector.broadcast %max3A_47 : f32 to vector<2048x1xf32>
    %max3A_49 = arith.maximumf %slice3A_46, %max3A_48 : vector<2048x1xf32>
    %sqrt3A_50 = math.sqrt %max3A_41 : vector<2048x1xf32>
    %sqrt3A_51 = math.sqrt %max3A_45 : vector<2048x1xf32>
    %add3A_52 = arith.addf %sqrt3A_50, %sqrt3A_51 : vector<2048x1xf32>
    %sqrt3A_53 = math.sqrt %max3A_49 : vector<2048x1xf32>
    %add3A_54 = arith.addf %add3A_52, %sqrt3A_53 : vector<2048x1xf32>
    %div3A_55 = arith.constant 3.000000e+00 : f32
    %div3A_56 = vector.broadcast %div3A_55 : f32 to vector<2048x1xf32>
    %div3A_57 = arith.divf %add3A_54, %div3A_56 : vector<2048x1xf32>
    %get3A_58 = arith.constant 0 : index
    %get3A_59 = arith.constant 0 : index
    %get3A_60 = vector.load %arg9[%get3A_58, %get3A_59] : memref<1x128xf32, #tpu.memory_space<vmem>>, vector<1x128xf32>
    %mul3A_61 = vector.broadcast %div3A_57 : vector<2048x1xf32> to vector<2048x128xf32>
    %mul3A_62 = vector.broadcast %get3A_60 : vector<1x128xf32> to vector<2048x128xf32>
    %mul3A_63 = arith.mulf %mul3A_61, %mul3A_62 : vector<2048x128xf32>
    %get3A_64 = arith.constant 0 : index
    %get3A_65 = arith.constant 0 : index
    %get3A_66 = vector.load %arg10[%get3A_64, %get3A_65] : memref<1x128xf32, #tpu.memory_space<vmem>>, vector<1x128xf32>
    %add3A_67 = vector.broadcast %get3A_66 : vector<1x128xf32> to vector<2048x128xf32>
    %add3A_68 = arith.addf %mul3A_63, %add3A_67 : vector<2048x128xf32>
    %concatenate3A = tpu.concatenate %add3A_20, %add3A_34, %add3A_68 in 1 : vector<2048x128xf32>, vector<2048x128xf32>, vector<2048x128xf32> -> vector<2048x384xf32>
    %get3A_69 = arith.constant 0 : index
    %get3A_70 = arith.constant 0 : index
    %get3A_71 = vector.load %arg11[%get3A_69, %get3A_70] : memref<384x384xf32, #tpu.memory_space<vmem>>, vector<384x384xf32>
    %dot_general3A_72 = arith.constant dense<0.000000e+00> : vector<2048x384xf32>
    %dot_general3A_73 = tpu.matmul %concatenate3A, %get3A_71, %dot_general3A_72 {dimension_numbers = #tpu.dot_dimension_numbers<[1], [0], [0], [1], [0, 0, 1, 1], [], []>, transpose_lhs_hint = false} : vector<2048x384xf32>, vector<384x384xf32>, vector<2048x384xf32> -> vector<2048x384xf32>
    %get3A_74 = arith.constant 0 : index
    %get3A_75 = arith.constant 0 : index
    %get3A_76 = vector.load %arg12[%get3A_74, %get3A_75] : memref<1x384xf32, #tpu.memory_space<vmem>>, vector<1x384xf32>
    %add3A_77 = vector.broadcast %get3A_76 : vector<1x384xf32> to vector<2048x384xf32>
    %add3A_78 = arith.addf %dot_general3A_73, %add3A_77 : vector<2048x384xf32>
    %swap3A = arith.constant 0 : index
    %swap3A_79 = arith.constant 0 : index
    %swap3A_80 = arith.constant 0 : index
    %swap3A_81 = vector.load %arg13[%swap3A, %swap3A_79, %swap3A_80] : memref<1x2048x384xf32, #tpu.memory_space<vmem>>, vector<1x2048x384xf32>
    %swap3A_82 = vector.shape_cast %swap3A_81 : vector<1x2048x384xf32> to vector<2048x384xf32>
    %swap3A_83 = vector.shape_cast %add3A_78 : vector<2048x384xf32> to vector<1x2048x384xf32>
    tpu.vector_store %arg13[%swap3A, %swap3A_79, %swap3A_80], %swap3A_83 {strides = array<i32>} : memref<1x2048x384xf32, #tpu.memory_space<vmem>>, vector<1x2048x384xf32>,
    return
  }
  func.func @transform_0(%arg0: i32, %arg1: i32) -> (i32, i32, i32) {
    %c0_i32 = arith.constant 0 : i32
    %c0_i32_0 = arith.constant 0 : i32
    return %arg0, %arg1, %c0_i32 : i32, i32, i32
  }
  func.func @transform_1(%arg0: i32, %arg1: i32) -> (i32, i32, i32) {
    %c0_i32 = arith.constant 0 : i32
    %c0_i32_0 = arith.constant 0 : i32
    %c0_i32_1 = arith.constant 0 : i32
    return %arg0, %c0_i32, %c0_i32_0 : i32, i32, i32
  }
  func.func @transform_2(%arg0: i32, %arg1: i32) -> (i32, i32, i32) {
    %c0_i32 = arith.constant 0 : i32
    %c0_i32_0 = arith.constant 0 : i32
    return %arg0, %arg1, %c0_i32 : i32, i32, i32
  }
  func.func @transform_3(%arg0: i32, %arg1: i32) -> (i32, i32) {
    %c0_i32 = arith.constant 0 : i32
    %c0_i32_0 = arith.constant 0 : i32
    %c0_i32_1 = arith.constant 0 : i32
    return %c0_i32, %c0_i32_0 : i32, i32
  }
  func.func @transform_4(%arg0: i32, %arg1: i32) -> (i32, i32) {
    %c0_i32 = arith.constant 0 : i32
    %c0_i32_0 = arith.constant 0 : i32
    %c0_i32_1 = arith.constant 0 : i32
    return %c0_i32, %c0_i32_0 : i32, i32
  }
  func.func @transform_5(%arg0: i32, %arg1: i32) -> (i32, i32) {
    %c0_i32 = arith.constant 0 : i32
    %c0_i32_0 = arith.constant 0 : i32
    %c0_i32_1 = arith.constant 0 : i32
    return %c0_i32, %c0_i32_0 : i32, i32
  }
  func.func @transform_6(%arg0: i32, %arg1: i32) -> (i32, i32) {
    %c0_i32 = arith.constant 0 : i32
    %c0_i32_0 = arith.constant 0 : i32
    %c0_i32_1 = arith.constant 0 : i32
    return %c0_i32, %c0_i32_0 : i32, i32
  }
  func.func @transform_7(%arg0: i32, %arg1: i32) -> (i32, i32) {
    %c0_i32 = arith.constant 0 : i32
    %c0_i32_0 = arith.constant 0 : i32
    %c0_i32_1 = arith.constant 0 : i32
    return %c0_i32, %c0_i32_0 : i32, i32
  }
  func.func @transform_8(%arg0: i32, %arg1: i32) -> (i32, i32) {
    %c0_i32 = arith.constant 0 : i32
    %c0_i32_0 = arith.constant 0 : i32
    %c0_i32_1 = arith.constant 0 : i32
    return %c0_i32, %c0_i32_0 : i32, i32
  }
  func.func @transform_9(%arg0: i32, %arg1: i32) -> (i32, i32) {
    %c0_i32 = arith.constant 0 : i32
    %c0_i32_0 = arith.constant 0 : i32
    %c0_i32_1 = arith.constant 0 : i32
    return %c0_i32, %c0_i32_0 : i32, i32
  }
  func.func @transform_10(%arg0: i32, %arg1: i32) -> (i32, i32) {
    %c0_i32 = arith.constant 0 : i32
    %c0_i32_0 = arith.constant 0 : i32
    %c0_i32_1 = arith.constant 0 : i32
    return %c0_i32, %c0_i32_0 : i32, i32
  }
  func.func @transform_11(%arg0: i32, %arg1: i32) -> (i32, i32, i32) {
    %c0_i32 = arith.constant 0 : i32
    %c0_i32_0 = arith.constant 0 : i32
    return %arg0, %arg1, %c0_i32 : i32, i32, i32
  }
}

</mosaic_0001>

<sc_bundles>
// kernel: kernel.5.cloned.1.call-start
scs
__scs_entry_jumppad:
0x0: {  	(pc) =	sbr.rel $0x88, $3  }
0x1: {  	(tag) =	ssettag $0x0;
	lr =	simm.s32 $0x1  }
0x2: {  	[smem:$0x3F98] =	sst lr;
	_ =	strace $0xD0000000  }
0x3: {  	_ = 	snop  }
0x4: {  	_ = 	snop  }
0x5: {  	_ = 	snop  }
0x6: {  	_ = 	snop  }
0x7: {  	_ = 	snop  }
__scs_overlays_trampoline_lowered:
0x8: {  	[smem:$0x3FA7] =	sst s0  }
0x9: {  	[smem:$0x3FA8] =	sst s1  }
0xa: {  	[smem:$0x3FA9] =	sst s2  }
0xb: {  	[smem:$0x3FAA] =	sst s3  }
0xc: {  	[smem:$0x3FAB] =	sst s4  }
0xd: {  	[smem:$0x3FAC] =	sst s5  }
0xe: {  	[smem:$0x3FAD] =	sst s6  }
0xf: {  	[smem:$0x3FAE] =	sst s7  }
0x10: {  	[smem:$0x3FAF] =	sst s8  }
0x11: {  	[smem:$0x3FB0] =	sst s9;
	s0 =	simm.s32 @!p0 $0x0  }
0x12: {  	s1 =	sld [smem:$0x3F96];
	s0 =	simm.s32 @p0 $0x1  }
0x13: {  	[smem:$0x3FB1] =	sst s0;
	s0 =	simm.s32 @!p1 $0x0  }
0x14: {  	s2 =	sld [smem:$0x3F95];
	s0 =	simm.s32 @p1 $0x1  }
0x15: {  	[smem:$0x3FB2] =	sst s0;
	s0 =	simm.s32 @!p2 $0x0  }
0x16: {  	s3 =	sld [smem:$0x3FDB];
	s0 =	simm.s32 @p2 $0x1  }
0x17: {  	s4 =	simm.s32 $0x1BF5;
	[smem:$0x3FB4] =	sst s0  }
0x18: {  	s0 =	sld [smem:$0x3F97];
	_ =	swait.ge [sflag:s4], $0x0  }
0x19: {  	s7 =	sld [smem:$0x3F98]  }
0x1a: {  	s8 =	sadd.s32 $0xFFFFE003, lr  }
0x1b: {  	s9 =	sadd.s32 $0xFFFFFEF7, lr;
	s5 =	simm.s32 $0xFFFFFFFF;
	p2 =	slt.u32 s8, $0xFFFFF086  }
0x1c: {  	p1 =	slt.u32 s9, $0xF7A;
	s5 =	simm.s32 @!p2 $0x0  }
0x1d: {  	s5 =	simm.s32 @p1 $0x1;
	p0 =	seq.s32 s7, s2  }
0x1e: {  	s7 =	smul.u32 @!p0 $0xF7A, s2;
	p2 =	seq.s32 @!p0 s5, $0x0  }
0x1f: {  	s9 =	smul.u32 $0xF7A, s1;
	s8 =	simm.s32 @!p0 $0x1BF5;
	p2 =	por !p2, p0  }
0x20: {  	[sflag:s8] =	ssyncset.s32 @!p0 $0xFFFFF086;
	s6 =	sadd.s32 @!p0 s3, s7;
	s7 =	simm.s32 @!p0 $0x108  }
0x21: {  	s3 =	sadd.s32 s3, s9;
	s6 =	sadd.s32 @!p0 $0x88, s6;
	s7 =	simm.s32 @p2 $0x1082  }
0x22: {  	[simem:s7], [sflag:s8] =	dma.local @!p0 [hbm:s6], $0xF7A  }
0x23: {  	s9 =	sor.u32 $0xD0000000, s2;
	s6 =	simm.s32 $0x108;
	_ =	swait.ge @!p0 [sflag:s8], $0x0  }
0x24: {  	s3 =	sadd.s32 $0x88, s3;
	s6 =	simm.s32 @!p1 $0x1082;
	[sflag:s4] =	ssyncset.s32 $0xFFFFF086  }
0x25: {  	[simem:s6], [sflag:s4] =	dma.local [hbm:s3], $0xF7A  }
0x26: {  	[smem:$0x3F98] =	sst s1;
	(tag) =	ssettag s2;
	_ =	strace s9  }
0x27: {  	s1 =	sld [smem:$0x3FA8]  }
0x28: {  	s2 =	sld [smem:$0x3FA9]  }
0x29: {  	s4 =	sld [smem:$0x3FAB]  }
0x2a: {  	p0 =	seq.s32 s5, $0x0;
	s5 =	sld [smem:$0x3FAC]  }
0x2b: {  	s6 =	sld [smem:$0x3FAD]  }
0x2c: {  	s7 =	sld [smem:$0x3FAE]  }
0x2d: {  	s3 =	simm.s32 $0x108;
	s8 =	sld [smem:$0x3FAF]  }
0x2e: {  	s3 =	simm.s32 @!p0 $0x1082;
	s9 =	sld [smem:$0x3FB0]  }
0x2f: {  	lr =	sadd.s32 s0, s3;
	s0 =	sld [smem:$0x3FA7]  }
0x30: {  	s3 =	sld [smem:$0x3FAA]  }
0x31: {  	[smem:$0x3FB3] =	sst s10  }
0x32: {  	s10 =	sld [smem:$0x3FB1];
	_ =	sdelay $0x3  }
0x33: {  	p0 =	seq.s32 s10, $0x1;
	s10 =	sld [smem:$0x3FB3];
	_ =	sdelay $0x3  }
0x34: {  	[smem:$0x3FB3] =	sst s10  }
0x35: {  	s10 =	sld [smem:$0x3FB2];
	_ =	sdelay $0x3  }
0x36: {  	p1 =	seq.s32 s10, $0x1;
	s10 =	sld [smem:$0x3FB3];
	_ =	sdelay $0x3  }
0x37: {  	[smem:$0x3FB3] =	sst s10  }
0x38: {  	s10 =	sld [smem:$0x3FB4]  }
0x39: {  	_ = 	snop;
	(pc) =	sbr.ind lr, $3  }
0x3a: {  	_ = 	snop  }
0x3b: {  	_ = 	snop  }
0x3c: {  	p2 =	seq.s32 s10, $0x1;
	s10 =	sld [smem:$0x3FB3]  }
0x3d: {  	_ =	shalt  }
0x3e: {  	_ =	shalt  }
0x3f: {  	_ =	shalt  }
0x40: {  	_ =	shalt  }
0x41: {  	_ =	shalt  }
0x42: {  	_ =	shalt  }
0x43: {  	_ =	shalt  }
0x44: {  	_ =	shalt  }
0x45: {  	_ =	shalt  }
0x46: {  	_ =	shalt  }
0x47: {  	_ =	shalt  }
0x48: {  	_ =	shalt  }
0x49: {  	_ =	shalt  }
0x4a: {  	_ =	shalt  }
0x4b: {  	_ =	shalt  }
0x4c: {  	_ =	shalt  }
0x4d: {  	_ =	shalt  }
0x4e: {  	_ =	shalt  }
0x4f: {  	_ =	shalt  }
0x50: {  	_ =	shalt  }
0x51: {  	_ =	shalt  }
0x52: {  	_ =	shalt  }
0x53: {  	_ =	shalt  }
0x54: {  	_ =	shalt  }
0x55: {  	_ =	shalt  }
0x56: {  	_ =	shalt  }
0x57: {  	_ =	shalt  }
0x58: {  	_ =	shalt  }
0x59: {  	_ =	shalt  }
0x5a: {  	_ =	shalt  }
0x5b: {  	_ =	shalt  }
0x5c: {  	_ =	shalt  }
0x5d: {  	_ =	shalt  }
0x5e: {  	_ =	shalt  }
0x5f: {  	_ =	shalt  }
0x60: {  	_ =	shalt  }
0x61: {  	_ =	shalt  }
0x62: {  	_ =	shalt  }
0x63: {  	_ =	shalt  }
0x64: {  	_ =	shalt  }
0x65: {  	_ =	shalt  }
0x66: {  	_ =	shalt  }
0x67: {  	_ =	shalt  }
0x68: {  	_ =	shalt  }
0x69: {  	_ =	shalt  }
0x6a: {  	_ =	shalt  }
0x6b: {  	_ =	shalt  }
0x6c: {  	_ =	shalt  }
0x6d: {  	_ =	shalt  }
0x6e: {  	_ =	shalt  }
0x6f: {  	_ =	shalt  }
0x70: {  	_ =	shalt  }
0x71: {  	_ =	shalt  }
0x72: {  	_ =	shalt  }
0x73: {  	_ =	shalt  }
0x74: {  	_ =	shalt  }
0x75: {  	_ =	shalt  }
0x76: {  	_ =	shalt  }
0x77: {  	_ =	shalt  }
0x78: {  	_ =	shalt  }
0x79: {  	_ =	shalt  }
0x7a: {  	_ =	shalt  }
0x7b: {  	_ =	shalt  }
0x7c: {  	_ =	shalt  }
0x7d: {  	_ =	shalt  }
0x7e: {  	_ =	shalt  }
0x7f: {  	_ =	shalt  }
0x80: {  	_ =	shalt  }
0x81: {  	_ =	shalt  }
0x82: {  	_ =	shalt  }
0x83: {  	_ =	shalt  }
0x84: {  	_ =	shalt  }
0x85: {  	_ =	shalt  }
0x86: {  	_ =	shalt  }
0x87: {  	_ =	shalt  }
.Lfunc_end0:
.L_simem_size_0:
called_computation_lowered:
.L_overlay_start_0:
0x88: {  	s2 =	sld [smem:$0x3FD9]  }
0x89: {  	s3 =	sld [smem:$0x3FFE];
	_ =	sdelay $0x1  }
0x8a: {  	s1 =	srdreg.scid  }
0x8b: {  	s0 =	sand.u32 $0x1, s1  }
0x8c: {  	s16 =	sshll.u32 s0, $0xA;
	s2 =	sadd.s32 s3, s2  }
0x8d: {  	s2 =	sadd.s32 s2, s16  }
0x8e: {  	[smem:$0x3FBF] =	sst s2  }
0x8f: {  	_ = 	snop  }
0x90: {  	(tm) =	ssettm $0x1  }
0x91: {  	s17 =	sld [smem:$0x3FFB];
	_ =	sdelay $0x3  }
0x92: {  	_ =	strace s17  }
0x93: {  	s2 =	sld [smem:$0x3FFC];
	_ =	sdelay $0x3  }
0x94: {  	_ =	strace s2  }
0x95: {  	s2 =	sld [smem:$0x3FFD];
	_ =	sdelay $0x3  }
0x96: {  	_ =	strace s2  }
0x97: {  	_ =	strace $0x8FFFFFFF  }
0x98: {  	s18 =	sld [smem:$0x3FDB];
	_ =	sdelay $0x1  }
0x99: {  	s19 =	simm.s32 $_scs_section_size  }
0x9a: {  	s4 =	simm.s32 $_size__tile_overlayer_lowered;
	s5 =	simm.s32 $_tile_overlayer_lowered  }
0x9b: {  	s22 =	simm.s32 $0x1BFF;
	s21 =	sshll.u32 s5, $0x1;
	s2 =	sadd.s32 s19, s18  }
0x9c: {  	s6 =	simm.s32 $0x0;
	s20 =	sshll.u32 s4, $0x1;
	s4 =	sadd.s32 s21, s2  }
0x9d: {  	[timem:s6], [sflag:s22] =	dma.local [hbm:s4], s20  }
0x9e: {  	_ =	swait.ge [sflag:s22], s20  }
0x9f: {  	s3 =	ssub.s32 $0x0, s20;
	[sflag:s22] =	ssyncset.done $0x0  }
0xa0: {  	[sflag:s22] =	ssyncadd.s32 s3;
	_ =	sdelay $0x1  }
0xa1: {  	s23 =	simm.s32 $0x1B8B  }
0xa2: {  	_ =	swait.ge [sflag:s23], $0x1  }
0xa3: {  	[sflag:s23] =	ssyncset.done $0x0  }
0xa4: {  	s25 =	simm.s32 $0x1B8E;
	s24 =	sld [smem:$0x3FFE];
	[sflag:s23] =	ssyncadd.s32 $0xFFFFFFFF  }
0xa5: {  	s26 =	simm.s32 $execute0_lowered;
	[smem:$0x3FD2] =	sst s25  }
0xa6: {  	s4 =	sshll.u32 s26, $0x1;
	_ =	strace $0x80000046;
	[dreg:$0x1] =	wrdreg $0xFFFFFFFF  }
0xa7: {  	s28 =	simm.s32 $_size_execute0_lowered;
	s2 =	sadd.s32 s2, s4;
	[dreg:$0x0] =	wrdreg $0x0  }
0xa8: {  	s4 =	sshll.u32 s28, $0x1;
	[dreg:$0x2] =	wrdreg s2  }
0xa9: {  	[dreg:$0x3] =	wrdreg s4  }
0xaa: {  	[dreg:$0x4] =	wrdreg $0xC0  }
0xab: {  	_ =	task [dreg:s6], $0x5FFFF  }
0xac: {  	[dreg:$0x1] =	wrdreg $0xFFFFFFFF  }
0xad: {  	[dreg:$0x0] =	wrdreg $0x60  }
0xae: {  	[dreg:$0x2] =	wrdreg s24  }
0xaf: {  	[dreg:$0x3] =	wrdreg $0x9  }
0xb0: {  	_ =	task.clear_ibuf [dreg:s6], $0x4FFFF;
	_ =	strace $0x90000046  }
0xb1: {  	s29 =	simm.s32 $0x9;
	_ =	strace $0x80000048  }
0xb2: {  	_ =	swait.ge [sflag:s29], $0x1  }
0xb3: {  	[sflag:s29] =	ssyncadd.s32 $0xFFFFFFFF  }
0xb4: {  	_ =	strace $0x90000048  }
0xb5: {  	_ =	sfence  }
0xb6: {  	s30 =	sld [smem:$0x0];
	_ =	sdelay $0x2  }
0xb7: {  	s31 =	sshll.u32 s1, $0xD;
	s1 =	sshrl.u32 s1, $0x2  }
0xb8: {  	s3 =	sand.u32 $0x4000, s31;
	s1 =	sadd.s32 s1, s30  }
0xb9: {  	s0 =	sor.u32 s3, s0;
	s1 =	sshll.u32 s1, $0x11  }
0xba: {  	s0 =	sor.u32 s1, s0  }
0xbb: {  	s0 =	sadd.s32 $0x8F2B, s0  }
0xbc: {  	[sflag:s0] =	ssyncadd.remote.s32 $0x1  }
0xbd: {  	_ =	sfence.sel $0xFFFF  }
0xbe: {  	[dreg:$0x0] =	wrdreg $0xFFFFFFFF;
	(pc) =	sbr.abs _section_cstart, $3  }
0xbf: {  	[dreg:$0x1] =	wrdreg $0xFFFFFFFF  }
0xc0: {  	_ =	task.clear_ibuf [dreg:s6], $0x2FFFF;
	_ =	strace $0x9FFFFFFF  }
0xc1: {  	(tm) =	ssettm $0x7FFFFFFF  }
tec
execute0_lowered:
.L_overlay_start_1:
0x0: {  	(tag) =	ssettag $0x1  }
0x1: {  	s0 =	stileid.u32;
	s4 =	rddreg [dreg:$0x0]  }
0x2: {  	s2 =	srdreg.scid;
	s1 =	rddreg [dreg:$0x1];
	s15 =	simm.s32 $0x1000  }
0x3: {  	s16 =	simm.s32 $0x1800;
	s17 =	simm.s32 $0x2000;
	s18 =	simm.s32 $0x2100  }
0x4: {  	s19 =	simm.s32 $0x2200;
	s20 =	simm.s32 $0x0;
	s3 =	sshll.u32 s0, $0x1  }
0x5: {  	s10 =	sand.u32 $0x1, s2;
	s2 =	simm.s32 $0x0;
	s5 =	sshll.u32 s0, $0x9  }
0x6: {  	s13 =	sand.u32 $0x3, s0;
	s3 =	sand.u32 $0x6, s3;
	[smem:$0x7FF] =	sst s2  }
0x7: {  	s5 =	sand.u32 $0x1800, s5;
	s7 =	ssub.s32 $0x2, s10;
	s13 =	sshll.u32 s13, $0x9  }
0x8: {  	s14 =	sshll.u32 s10, $0x8;
	s3 =	sor.u32 s10, s3;
	_ =	strace $0x80000047  }
0x9: {  	s8 =	sshrl.u32 s7, $0x1;
	s31 =	sor.u32 s14, s13;
	s3 =	sshll.u32 s3, $0x8  }
0xa: {  	s13 =	simm.s32 $0x1;
	s14 =	simm.s32 $0x800;
	s6 =	sor.u32 s5, s3  }
.Ltmp0:
0xb: {  	s5 =	sshrl.u32 s5, $0x3;
	s6 =	sshrl.u32 s6, $0x3;
	(pc) =	sbr.rel .LBB2_1-.Ltmp0, $4  }
0xc: {  	s12 =	ssub.s32 s7, s8;
	s9 =	sadd.s32 s5, s4;
	s11 =	sadd.s32 s6, s4  }
0xd: {  	s4 =	sadd.s32 $0x3200, s9;
	s5 =	sadd.s32 $0x2E00, s9;
	s6 =	sadd.s32 $0x2A00, s9  }
0xe: {  	s7 =	sadd.s32 $0x2600, s9;
	s8 =	sadd.s32 $0x3600, s11;
	s9 =	sadd.s32 $0x3A00, s11  }
0xf: {  	v0 =	vlaneseq.u32;
	s10 =	sadd.s32 $0x3E00, s11;
	s11 =	smax.u32 s12, $0x1;
	s12 =	sor.u32 $0x3F, s31  }
.LBB2_22:
0x10: {  	[hbm4b:s8+s2] =	stream.linear.scatter [tilespmem:s17], [sflag:$0x1], $0x100, $0x38;
	[tilespmem:$0x2300] =	vst v63  }
0x11: {  	_ =	swait.ge [sflag:s13], $0x100  }
0x12: {  	[sflag:s13] =	ssyncset.done $0x0  }
0x13: {  	[sflag:s13] =	ssyncadd.s32 $0xFFFFFF00  }
0x14: {  	[hbm4b:s9+s2] =	stream.linear.scatter [tilespmem:s18], [sflag:$0x1], $0x100, $0x38;
	[tilespmem:$0x2300] =	vst v63  }
0x15: {  	s20 =	sadd.s32 $0x1, s20;
	_ =	swait.ge [sflag:s13], $0x100  }
0x16: {  	p0 =	sne.s32 s20, s11;
	[sflag:s13] =	ssyncset.done $0x0  }
.Ltmp1:
0x17: {  	[sflag:s13] =	ssyncadd.s32 $0xFFFFFF00;
	(pc) =	sbr.rel @!p0 .LBB2_23-.Ltmp1, $4  }
0x18: {  	[hbm4b:s10+s2] =	stream.linear.scatter [tilespmem:s19], [sflag:$0x1], $0x100, $0x38;
	[tilespmem:$0x2300] =	vst v63  }
0x19: {  	_ =	swait.ge [sflag:s13], $0x100  }
0x1a: {  	[sflag:s13] =	ssyncset.done $0x0  }
0x1b: {  	[sflag:s13] =	ssyncadd.s32 $0xFFFFFF00  }
.LBB2_1:
0x1c: {  	[tilespmem:s2], [sflag:$0x1] =	stream.linear.gather [hbm4b:s4+s2], $0x800, $0x38;
	[tilespmem:$0x2300] =	vst v63  }
0x1d: {  	_ =	swait.ge [sflag:s13], $0x800  }
0x1e: {  	[sflag:s13] =	ssyncset.done $0x0  }
0x1f: {  	[sflag:s13] =	ssyncadd.s32 $0xFFFFF800  }
0x20: {  	[tilespmem:s14], [sflag:$0x1] =	stream.linear.gather [hbm4b:s5+s2], $0x800, $0x38;
	[tilespmem:$0x2300] =	vst v63  }
0x21: {  	_ =	swait.ge [sflag:s13], $0x800  }
0x22: {  	[sflag:s13] =	ssyncset.done $0x0  }
0x23: {  	[sflag:s13] =	ssyncadd.s32 $0xFFFFF800  }
0x24: {  	[tilespmem:s15], [sflag:$0x1] =	stream.linear.gather [hbm4b:s6+s2], $0x800, $0x38;
	[tilespmem:$0x2300] =	vst v63  }
0x25: {  	_ =	swait.ge [sflag:s13], $0x800  }
0x26: {  	[sflag:s13] =	ssyncset.done $0x0  }
.Ltmp2:
0x27: {  	[sflag:s13] =	ssyncadd.s32 $0xFFFFF800;
	(pc) =	sbr.rel .LBB2_2-.Ltmp2, $4  }
0x28: {  	[tilespmem:s16], [sflag:$0x1] =	stream.linear.gather [hbm4b:s7+s2], $0x800, $0x38;
	[tilespmem:$0x2300] =	vst v63  }
0x29: {  	_ =	swait.ge [sflag:s13], $0x800  }
0x2a: {  	[sflag:s13] =	ssyncset.done $0x0  }
0x2b: {  	s21 =	smov.u32 s12;
	s22 =	simm.s32 $0x0;
	[sflag:s13] =	ssyncadd.s32 $0xFFFFF800  }
.LBB2_15:
0x2c: {  	v26 =	vmovc v18;
	v31 =	vmovc v27;
	v32 =	vmov v30;
	v35 =	vmov v29;
	v36 =	vmov v28  }
.LBB2_20:
0x2d: {  	v1 =	vadd.f32 v38, v40;
	v2 =	vmax.f32 v33, v15;
	v3 =	vadd.f32 v42, v43  }
0x2e: {  	v4 =	vadd.f32 v41, v39;
	v5 =	vmin.f32 @p0 v25, v26;
	v16 =	vmin.f32 v37, v16  }
0x2f: {  	v15 =	vmin.f32 v33, v15;
	v14 =	vmin.f32 v2, v14;
	v2 =	vmax.f32 v1, v17  }
0x30: {  	v17 =	vmin.f32 v1, v17;
	v1 =	vmax.f32 v3, v13;
	v27 =	vmin.f32 v4, v27  }
0x31: {  	v4 =	vmax.f32 v4, v31;
	v13 =	vmin.f32 v3, v13;
	v30 =	vmin.f32 v2, v30  }
0x32: {  	v28 =	vmin.f32 v1, v28;
	v2 =	vmax.f32 v2, v32;
	v3 =	vmax.f32 v4, v35  }
0x33: {  	v1 =	vmax.f32 v1, v36;
	v20 =	vmin.f32 v2, v20;
	v2 =	vpsel p0, v5, v18  }
0x34: {  	v29 =	vmin.f32 v4, v29;
	v19 =	vmin.f32 v3, v19;
	v18 =	vmin.f32 v1, v2  }
.LBB2_21:
0x35: {  	v1 =	vld [tilespmem:s28+$0x1800];
	_ =	sdelay $0x4  }
0x36: {  	v2 =	vadd.f32 v1, v17  }
0x37: {  	v3 =	vadd.f32 v1, v30  }
0x38: {  	s31 =	sand.u32 $0xC0, s23;
	v1 =	vadd.f32 v1, v20;
	[tilespmem:s23+$0x2000] =	vst v2  }
0x39: {  	[tilespmem:s31+$0x2100] =	vst v3  }
0x3a: {  	[tilespmem:s31+$0x2200] =	vst v1  }
0x3b: {  	v1 =	vld [tilespmem:s26+$0x1800];
	_ =	sdelay $0x4  }
0x3c: {  	v2 =	vadd.f32 v1, v27  }
0x3d: {  	v3 =	vadd.f32 v1, v29  }
0x3e: {  	v1 =	vadd.f32 v1, v19;
	[tilespmem:s23+$0x2010] =	vst v2  }
0x3f: {  	[tilespmem:s23+$0x2110] =	vst v3  }
0x40: {  	[tilespmem:s23+$0x2210] =	vst v1  }
0x41: {  	v1 =	vld [tilespmem:s25+$0x1800];
	_ =	sdelay $0x4  }
0x42: {  	v2 =	vadd.f32 v1, v13  }
0x43: {  	v3 =	vadd.f32 v1, v28  }
0x44: {  	v1 =	vadd.f32 v1, v18;
	[tilespmem:s23+$0x2020] =	vst v2  }
0x45: {  	[tilespmem:s23+$0x2120] =	vst v3  }
0x46: {  	[tilespmem:s23+$0x2220] =	vst v1  }
0x47: {  	v1 =	vld [tilespmem:s24+$0x1800];
	_ =	sdelay $0x2  }
0x48: {  	s22 =	sadd.s32 $0x1, s22  }
0x49: {  	p0 =	sne.s32 s22, $0x4  }
.Ltmp3:
0x4a: {  	v2 =	vadd.f32 v1, v16;
	(pc) =	sbr.rel @!p0 .LBB2_22-.Ltmp3, $4  }
0x4b: {  	v3 =	vadd.f32 v1, v15  }
0x4c: {  	v1 =	vadd.f32 v1, v14;
	[tilespmem:s23+$0x2030] =	vst v2  }
0x4d: {  	[tilespmem:s23+$0x2130] =	vst v3  }
0x4e: {  	s21 =	sadd.s32 $0x40, s21;
	[tilespmem:s23+$0x2230] =	vst v1  }
.LBB2_2:
0x4f: {  	s23 =	sshll.u32 s22, $0x6  }
0x50: {  	s28 =	sor.u32 s3, s23  }
0x51: {  	v1 =	vld [tilespmem:s28+$0x0]  }
0x52: {  	v5 =	vld [tilespmem:s28+$0x800]  }
0x53: {  	v6 =	vld [tilespmem:s28+$0x810]  }
0x54: {  	v7 =	vld [tilespmem:s28+$0x820]  }
0x55: {  	v8 =	vld [tilespmem:s28+$0x830]  }
0x56: {  	v9 =	vld [tilespmem:s28+$0x1000]  }
0x57: {  	v10 =	vld [tilespmem:s28+$0x1010]  }
0x58: {  	v11 =	vld [tilespmem:s28+$0x1020]  }
0x59: {  	s26 =	sor.u32 $0x10, s28;
	v12 =	vld [tilespmem:s28+$0x1030]  }
0x5a: {  	s25 =	sor.u32 $0x20, s28;
	v2 =	vld [tilespmem:s26+$0x0]  }
0x5b: {  	s24 =	sor.u32 $0x30, s28;
	v3 =	vld [tilespmem:s25+$0x0]  }
0x5c: {  	p0 =	seq.s32 s28, $0x0;
	v4 =	vld [tilespmem:s24+$0x0];
	v1 =	vmul.f32 $-2.000000000e+00, v1;
	v5 =	vmul.f32 $-2.000000000e+00, v5  }
.Ltmp4:
0x5d: {  	v6 =	vmul.f32 $-2.000000000e+00, v6;
	v7 =	vmul.f32 $-2.000000000e+00, v7;
	(pc) =	sbr.rel @p0 .LBB2_3-.Ltmp4, $4  }
0x5e: {  	v8 =	vmul.f32 $-2.000000000e+00, v8;
	v9 =	vmul.f32 $-2.000000000e+00, v9  }
0x5f: {  	v10 =	vmul.f32 $-2.000000000e+00, v10;
	v11 =	vmul.f32 $-2.000000000e+00, v11  }
0x60: {  	v14 =	vimm.s32 $0x0;
	v12 =	vmul.f32 $-2.000000000e+00, v12;
	v2 =	vmul.f32 $-2.000000000e+00, v2  }
0x61: {  	v13 =	vimm.f32 $+Inf;
	v3 =	vmul.f32 $-2.000000000e+00, v3;
	v4 =	vmul.f32 $-2.000000000e+00, v4  }
0x62: {  	_ =	sdelay $0x3  }
0x63: {  	v15 =	vld.idx.msk [tilespmem:v14+s2+$0x0], $0xffff  }
0x64: {  	v16 =	vld.idx.msk [tilespmem:v14+s14+$0x0], $0xffff  }
0x65: {  	v17 =	vld.idx.msk [tilespmem:v14+s16+$0x0], $0xffff;
	_ =	sdelay $0x1  }
0x66: {  	v18 =	vld.idx.msk [tilespmem:v14+s15+$0x0], $0xffff  }
0x67: {  	v19 =	vmul.f32 v15, v4  }
0x68: {  	v20 =	vmul.f32 v15, v1  }
0x69: {  	v21 =	vmul.f32 v15, v2;
	v22 =	vmul.f32 v16, v8;
	v19 =	vadd.f32 v17, v19  }
0x6a: {  	v14 =	vadd.s32 $0x1, v14;
	p1 =	sgt.u32 s28, $0x1;
	v15 =	vmul.f32 v15, v3;
	v23 =	vmul.f32 v16, v5  }
.Ltmp5:
0x6b: {  	v62 =	vmul.f32 v18, v12;
	v63 =	vmul.f32 v16, v6;
	v19 =	vadd.f32 v19, v22;
	(pc) =	sbr.rel @!p1 .LBB2_5-.Ltmp5, $4  }
0x6c: {  	v16 =	vmul.f32 v16, v7;
	v20 =	vadd.f32 v17, v20;
	v21 =	vadd.f32 v17, v21  }
0x6d: {  	v38 =	vmul.f32 v18, v9;
	v15 =	vadd.f32 v17, v15;
	v32 =	vadd.f32 v19, v62  }
0x6e: {  	v36 =	vmul.f32 v18, v10;
	v40 =	vmul.f32 v18, v11;
	v35 =	vadd.f32 v20, v23  }
0x6f: {  	p0 =	por $0x0, $0x0;
	v39 =	vadd.f32 v21, v63;
	v37 =	vadd.f32 v15, v16;
	v31 =	vmax.f32 v32, v13  }
0x70: {  	_ =	sdelay $0x3  }
0x71: {  	v17 =	vld.idx.msk [tilespmem:v14+s2+$0x0], $0xffff  }
0x72: {  	v16 =	vadd.f32 v35, v38;
	v26 =	vld.idx.msk [tilespmem:v14+s14+$0x0], $0xffff  }
0x73: {  	v15 =	vmax.f32 v31, v13;
	v27 =	vld.idx.msk [tilespmem:v14+s16+$0x0], $0xffff;
	v19 =	vadd.f32 v39, v36;
	v20 =	vadd.f32 v37, v40  }
0x74: {  	v29 =	vld.idx.msk [tilespmem:v14+s15+$0x0], $0xffff;
	v14 =	vadd.s32 $0x1, v14;
	v15 =	vmin.f32 v15, v13;
	v22 =	vmax.f32 v16, v13  }
0x75: {  	v18 =	vmin.f32 v19, v13;
	v24 =	vmax.f32 v19, v13;
	v25 =	vmax.f32 v20, v13  }
0x76: {  	v19 =	vmin.f32 v20, v13;
	v20 =	vmin.f32 v22, v13;
	v28 =	vmax.f32 v22, v13  }
0x77: {  	v21 =	vmin.f32 v24, v13;
	v23 =	vmin.f32 v25, v13;
	v30 =	vmax.f32 v24, v13  }
0x78: {  	v22 =	vmax.f32 v25, v13;
	v25 =	vmul.f32 v17, v4;
	v33 =	vmul.f32 v17, v1  }
0x79: {  	v24 =	vmin.f32 v28, v13;
	v28 =	vmul.f32 v17, v2;
	v17 =	vmul.f32 v17, v3  }
0x7a: {  	v16 =	vmin.f32 v16, v13;
	v60 =	vmul.f32 v26, v8;
	v61 =	vmul.f32 v26, v5  }
0x7b: {  	v62 =	vmul.f32 v29, v12;
	v63 =	vmul.f32 v26, v6;
	v34 =	vadd.f32 v27, v25  }
0x7c: {  	p1 =	sgt.u32 s28, $0x2;
	v25 =	vmin.f32 v30, v13;
	v30 =	vadd.f32 v27, v33;
	v28 =	vadd.f32 v27, v28  }
.Ltmp6:
0x7d: {  	v26 =	vmul.f32 v26, v7;
	v27 =	vadd.f32 v27, v17;
	v17 =	vadd.f32 v34, v60;
	(pc) =	sbr.rel @!p1 .LBB2_7-.Ltmp6, $4  }
0x7e: {  	v38 =	vmul.f32 v29, v9;
	v36 =	vmul.f32 v29, v10;
	v35 =	vadd.f32 v30, v61  }
0x7f: {  	v40 =	vmul.f32 v29, v11;
	v39 =	vadd.f32 v28, v63;
	v17 =	vadd.f32 v17, v62  }
0x80: {  	v29 =	vmovc v18;
	v37 =	vadd.f32 v27, v26;
	v27 =	vmin.f32 v32, v13;
	v26 =	vmin.f32 v31, v13  }
0x81: {  	s29 =	simm.s32 $0x2;
	p0 =	por $0x1, $0x1;
	v28 =	vimm.f32 $+Inf;
	v33 =	vmovc v21;
	v30 =	vmovc v20;
	v34 =	vmov v23;
	v32 =	vmax.f32 v17, v27  }
.LBB2_8:
0x82: {  	v31 =	vld.idx.msk [tilespmem:v14+s2+$0x0], $0xffff;
	s29 =	sadd.s32 $0x1, s29;
	v35 =	vadd.f32 v35, v38;
	v36 =	vadd.f32 v39, v36;
	v38 =	vmax.f32 v32, v26  }
0x83: {  	v28 =	vmin.f32 v22, v28;
	v39 =	vld.idx.msk [tilespmem:v14+s14+$0x0], $0xffff;
	p1 =	slt.u32 s29, s28;
	v37 =	vadd.f32 v37, v40;
	v15 =	vmin.f32 v38, v15  }
0x84: {  	v38 =	vld.idx.msk [tilespmem:v14+s16+$0x0], $0xffff;
	v22 =	vmax.f32 v35, v16;
	v16 =	vmin.f32 v35, v16;
	v18 =	vmin.f32 v36, v18  }
0x85: {  	v35 =	vmax.f32 v36, v29;
	v36 =	vmax.f32 v37, v19;
	v19 =	vmin.f32 v37, v19;
	v29 =	vmovc v18  }
0x86: {  	v20 =	vmin.f32 v22, v20;
	v21 =	vmin.f32 v35, v21;
	v40 =	vld.idx.msk [tilespmem:v14+s15+$0x0], $0xffff;
	v23 =	vmin.f32 v36, v23  }
0x87: {  	v37 =	vmax.f32 v22, v30;
	v35 =	vmax.f32 v35, v33;
	v22 =	vmax.f32 v36, v34;
	v30 =	vmovc v20  }
0x88: {  	v24 =	vmin.f32 v37, v24;
	v33 =	vmovc v21;
	v36 =	vmul.f32 v31, v1;
	v41 =	vmul.f32 v31, v4  }
0x89: {  	v25 =	vmin.f32 v35, v25;
	v37 =	vmul.f32 v31, v2;
	v31 =	vmul.f32 v31, v3;
	v34 =	vmovc v23  }
0x8a: {  	v35 =	vadd.f32 v38, v36;
	v36 =	vadd.f32 v38, v41;
	v41 =	vmul.f32 v39, v8  }
0x8b: {  	v42 =	vmul.f32 v39, v5;
	v37 =	vadd.f32 v38, v37;
	v31 =	vadd.f32 v38, v31  }
.Ltmp7:
0x8c: {  	v14 =	vadd.s32 $0x1, v14;
	v41 =	vadd.f32 v36, v41;
	v43 =	vmul.f32 v40, v12;
	(pc) =	sbr.rel @p1 .LBB2_8-.Ltmp7, $4  }
0x8d: {  	v44 =	vmul.f32 v39, v7;
	v35 =	vadd.f32 v35, v42;
	v42 =	vmul.f32 v39, v6  }
0x8e: {  	v38 =	vmul.f32 v40, v9;
	v36 =	vmul.f32 v40, v10;
	v41 =	vadd.f32 v41, v43  }
0x8f: {  	v27 =	vmin.f32 v17, v27;
	v39 =	vadd.f32 v37, v42;
	v37 =	vadd.f32 v31, v44  }
0x90: {  	v26 =	vmin.f32 v32, v26;
	v40 =	vmul.f32 v40, v11;
	v32 =	vmax.f32 v41, v27;
	v17 =	vmovc v41  }
0x91: {  	v31 =	vmov v32;
	v32 =	vmov v17  }
.LBB2_10:
0x92: {  	v35 =	vadd.f32 v35, v38;
	v36 =	vadd.f32 v39, v36;
	v17 =	vmax.f32 v31, v26  }
0x93: {  	v37 =	vadd.f32 v37, v40;
	v28 =	vmin.f32 @p0 v22, v28;
	v17 =	vmin.f32 v17, v15  }
0x94: {  	v13 =	vpsel p0, v28, v13;
	v38 =	vmax.f32 v35, v16;
	v35 =	vmin.f32 v35, v16  }
.Ltmp8:
0x95: {  	v18 =	vmin.f32 v36, v18;
	v16 =	vmax.f32 v36, v29;
	v63 =	vmax.f32 v37, v19;
	(pc) =	sbr.rel .LBB2_11-.Ltmp8, $4  }
0x96: {  	v22 =	vmin.f32 v37, v19;
	v15 =	vmin.f32 v38, v20;
	v19 =	vmin.f32 v16, v21  }
0x97: {  	v20 =	vmin.f32 v63, v23;
	v21 =	vmax.f32 v38, v30;
	v23 =	vmax.f32 v16, v33  }
0x98: {  	v29 =	vmax.f32 v63, v34;
	v16 =	vmin.f32 v21, v24;
	v21 =	vmin.f32 v23, v25  }
0x99: {  	v23 =	vmin.f32 v32, v27;
	v24 =	vmin.f32 v31, v26;
	v25 =	vmin.f32 v29, v13;
	v13 =	vmovc v35  }
.LBB2_3:
0x9a: {  	v15 =	vimm.f32 $+Inf;
	v16 =	vimm.f32 $+Inf  }
0x9b: {  	v18 =	vimm.f32 $+Inf;
	v19 =	vimm.f32 $+Inf;
	v21 =	vimm.f32 $+Inf  }
0x9c: {  	v22 =	vimm.f32 $+Inf;
	v20 =	vimm.f32 $+Inf;
	v25 =	vimm.f32 $+Inf  }
0x9d: {  	v23 =	vimm.f32 $+Inf;
	v24 =	vimm.f32 $+Inf;
	v17 =	vimm.f32 $+Inf  }
.LBB2_11:
0x9e: {  	_ =	sdelay $0x3  }
0x9f: {  	v26 =	vld.idx.msk [tilespmem:v14+s2+$0x0], $0xffff  }
0xa0: {  	v31 =	vld.idx.msk [tilespmem:v14+s14+$0x0], $0xffff  }
0xa1: {  	v32 =	vld.idx.msk [tilespmem:v14+s16+$0x0], $0xffff  }
0xa2: {  	v33 =	vld.idx.msk [tilespmem:v14+s15+$0x0], $0xffff  }
0xa3: {  	v27 =	vor.u32 s28, v0;
	v28 =	vor.u32 s26, v0  }
0xa4: {  	v29 =	vor.u32 s25, v0;
	v30 =	vor.u32 s24, v0;
	v34 =	vmul.f32 v26, v4  }
0xa5: {  	vm0 =	veq.s32 v14, v27;
	v35 =	vmul.f32 v26, v1;
	v36 =	vmul.f32 v26, v2  }
0xa6: {  	vm1 =	veq.s32 v14, v28;
	v37 =	vmul.f32 v31, v8;
	v26 =	vmul.f32 v26, v3  }
0xa7: {  	v38 =	vmul.f32 v31, v5;
	v60 =	vmul.f32 v33, v12;
	v34 =	vadd.f32 v32, v34  }
0xa8: {  	v61 =	vmul.f32 v31, v6;
	v62 =	vmul.f32 v33, v9;
	v35 =	vadd.f32 v32, v35  }
0xa9: {  	s29 =	sadd.s32 $0x40, s28;
	s30 =	sadd.s32 $0x1, s28;
	v31 =	vmul.f32 v31, v7;
	v36 =	vadd.f32 v32, v36;
	v34 =	vadd.f32 v34, v37  }
0xaa: {  	p0 =	slt.u32 s30, s29;
	v63 =	vmul.f32 v33, v10;
	v26 =	vadd.f32 v32, v26;
	v35 =	vadd.f32 v35, v38  }
.Ltmp9:
0xab: {  	v33 =	vmul.f32 v33, v11;
	v36 =	vadd.f32 v36, v61;
	v34 =	vadd.f32 v34, v60;
	(pc) =	sbr.rel @!p0 .LBB2_13-.Ltmp9, $4  }
0xac: {  	vm2 =	veq.s32 v14, v29;
	vm3 =	veq.s32 v14, v30;
	v39 =	vadd.f32 v26, v31  }
0xad: {  	v26 =	vadd.s32 $0x1, v14;
	v38 =	vmovc v18;
	v40 =	vadd.f32 v35, v62;
	v31 =	vsel vm3, $0x7F800000, v34  }
0xae: {  	v37 =	vmovc v19;
	v41 =	vadd.f32 v36, v63;
	v39 =	vadd.f32 v39, v33;
	v32 =	vmax.f32 v31, v23  }
0xaf: {  	v33 =	vmovc v20;
	v35 =	vmovc v22;
	v36 =	vmov v15;
	v14 =	vmax.f32 v32, v24;
	v34 =	vmov v13  }
.LBB2_12:
0xb0: {  	v17 =	vmin.f32 v14, v17;
	vm3 =	vmmov vm0;
	vm0 =	veq.s32 v26, v27  }
0xb1: {  	vm4 =	vmmov vm1;
	vm1 =	veq.s32 v26, v28;
	vm5 =	vmmov vm2  }
0xb2: {  	vm2 =	veq.s32 v26, v29;
	s30 =	sadd.s32 $0x1, s30;
	v14 =	vld.idx.msk [tilespmem:v26+s2+$0x0], $0xffff;
	v40 =	vsel vm3, $0x7F800000, v40;
	v41 =	vsel vm4, $0x7F800000, v41  }
0xb3: {  	p0 =	slt.u32 s30, s29;
	v39 =	vsel vm5, $0x7F800000, v39;
	v42 =	vld.idx.msk [tilespmem:v26+s14+$0x0], $0xffff;
	v13 =	vmin.f32 v40, v13;
	v18 =	vmin.f32 v41, v18  }
0xb4: {  	v40 =	vmax.f32 v40, v34;
	v38 =	vmax.f32 v41, v38;
	v22 =	vmin.f32 v39, v22;
	v43 =	vld.idx.msk [tilespmem:v26+s16+$0x0], $0xffff  }
0xb5: {  	v35 =	vmax.f32 v39, v35;
	v15 =	vmin.f32 v40, v15;
	v19 =	vmin.f32 v38, v19;
	v34 =	vmovc v13  }
0xb6: {  	v36 =	vmax.f32 v40, v36;
	v37 =	vmax.f32 v38, v37;
	v20 =	vmin.f32 v35, v20;
	v39 =	vld.idx.msk [tilespmem:v26+s15+$0x0], $0xffff  }
0xb7: {  	v45 =	vmax.f32 v35, v33;
	v16 =	vmin.f32 v36, v16;
	v21 =	vmin.f32 v37, v21;
	v38 =	vmovc v18  }
0xb8: {  	v25 =	vmin.f32 v45, v25;
	v35 =	vmovc v22;
	v40 =	vmul.f32 v14, v1;
	v41 =	vmul.f32 v14, v4  }
0xb9: {  	v33 =	vmovc v20;
	v44 =	vmul.f32 v14, v2;
	v14 =	vmul.f32 v14, v3;
	v36 =	vmovc v15;
	v37 =	vmov v19  }
0xba: {  	v45 =	vmul.f32 v42, v8;
	v40 =	vadd.f32 v43, v40;
	v41 =	vadd.f32 v43, v41  }
0xbb: {  	v46 =	vmul.f32 v42, v5;
	v44 =	vadd.f32 v43, v44;
	v14 =	vadd.f32 v43, v14  }
0xbc: {  	v43 =	vmul.f32 v42, v6;
	v41 =	vadd.f32 v41, v45;
	v45 =	vmul.f32 v39, v12  }
0xbd: {  	v42 =	vmul.f32 v42, v7;
	v40 =	vadd.f32 v40, v46;
	v46 =	vmul.f32 v39, v9  }
.Ltmp10:
0xbe: {  	v43 =	vadd.f32 v44, v43;
	v44 =	vmul.f32 v39, v10;
	v41 =	vadd.f32 v41, v45;
	(pc) =	sbr.rel @p0 .LBB2_12-.Ltmp10, $4  }
0xbf: {  	vm3 =	veq.s32 v26, v30;
	v26 =	vadd.s32 $0x1, v26;
	v14 =	vadd.f32 v14, v42  }
0xc0: {  	v23 =	vmin.f32 v31, v23;
	v39 =	vmul.f32 v39, v11;
	v31 =	vsel vm3, $0x7F800000, v41  }
0xc1: {  	v24 =	vmin.f32 v32, v24;
	v40 =	vadd.f32 v40, v46;
	v32 =	vmax.f32 v31, v23  }
0xc2: {  	v39 =	vadd.f32 v14, v39;
	v41 =	vadd.f32 v43, v44;
	v14 =	vmax.f32 v32, v24  }
.LBB2_13:
0xc3: {  	v14 =	vmin.f32 v14, v17;
	vm0 =	vmmov vm0;
	vm1 =	vmmov vm1  }
0xc4: {  	vm2 =	vmmov vm2;
	v28 =	vsel vm0, $0x7F800000, v40;
	v29 =	vsel vm1, $0x7F800000, v41  }
0xc5: {  	p0 =	slt.u32 s28, $0x7C0;
	v17 =	vmin.f32 v28, v13;
	v27 =	vmin.f32 v29, v18;
	v18 =	vsel vm2, $0x7F800000, v39  }
.Ltmp11:
0xc6: {  	v28 =	vmax.f32 v28, v34;
	v63 =	vmax.f32 v29, v38;
	v13 =	vmin.f32 v18, v22;
	(pc) =	sbr.rel @!p0 .LBB2_21-.Ltmp11, $4  }
0xc7: {  	v30 =	vmin.f32 v28, v15;
	v29 =	vmin.f32 v63, v19;
	v15 =	vmax.f32 v18, v35  }
0xc8: {  	v18 =	vmax.f32 v28, v36;
	v19 =	vmax.f32 v63, v37;
	v28 =	vmin.f32 v15, v20  }
0xc9: {  	v20 =	vmin.f32 v18, v16;
	v19 =	vmin.f32 v19, v21;
	v15 =	vmax.f32 v15, v33  }
0xca: {  	v16 =	vmin.f32 v31, v23;
	v18 =	vmin.f32 v15, v25;
	v15 =	vmin.f32 v32, v24  }
0xcb: {  	_ =	sdelay $0x3  }
0xcc: {  	v21 =	vld.idx.msk [tilespmem:v26+s2+$0x0], $0xffff  }
0xcd: {  	v22 =	vld.idx.msk [tilespmem:v26+s14+$0x0], $0xffff  }
0xce: {  	v23 =	vld.idx.msk [tilespmem:v26+s16+$0x0], $0xffff;
	_ =	sdelay $0x1  }
0xcf: {  	v24 =	vld.idx.msk [tilespmem:v26+s15+$0x0], $0xffff  }
0xd0: {  	v25 =	vmul.f32 v21, v4  }
0xd1: {  	v31 =	vmul.f32 v21, v1  }
0xd2: {  	s29 =	sadd.s32 $0x1, s21;
	v32 =	vmul.f32 v21, v2;
	v33 =	vmul.f32 v22, v8;
	v25 =	vadd.f32 v23, v25  }
0xd3: {  	p1 =	slt.u32 s29, $0x7FF;
	v21 =	vmul.f32 v21, v3;
	v34 =	vmul.f32 v22, v5;
	v31 =	vadd.f32 v23, v31  }
.Ltmp12:
0xd4: {  	v63 =	vmul.f32 v24, v12;
	v32 =	vadd.f32 v23, v32;
	v25 =	vadd.f32 v25, v33;
	(pc) =	sbr.rel @!p1 .LBB2_15-.Ltmp12, $4  }
0xd5: {  	v21 =	vadd.f32 v23, v21;
	v23 =	vmul.f32 v22, v6;
	v22 =	vmul.f32 v22, v7  }
0xd6: {  	v26 =	vadd.s32 $0x1, v26;
	v40 =	vmul.f32 v24, v9;
	v37 =	vadd.f32 v25, v63  }
0xd7: {  	v43 =	vmul.f32 v24, v11;
	v38 =	vadd.f32 v31, v34;
	v42 =	vadd.f32 v21, v22  }
0xd8: {  	p0 =	por $0x0, $0x0;
	v39 =	vmul.f32 v24, v10;
	v41 =	vadd.f32 v32, v23;
	v33 =	vmax.f32 v37, v16  }
0xd9: {  	_ =	sdelay $0x1  }
0xda: {  	v21 =	vadd.f32 v38, v40  }
0xdb: {  	v22 =	vadd.f32 v42, v43;
	v24 =	vmax.f32 v33, v15;
	v16 =	vmin.f32 v37, v16  }
0xdc: {  	v31 =	vld.idx.msk [tilespmem:v26+s2+$0x0], $0xffff;
	v15 =	vmin.f32 v33, v15;
	v23 =	vadd.f32 v41, v39;
	v14 =	vmin.f32 v24, v14  }
0xdd: {  	v32 =	vld.idx.msk [tilespmem:v26+s14+$0x0], $0xffff;
	v25 =	vmax.f32 v21, v17;
	v17 =	vmin.f32 v21, v17;
	v34 =	vmax.f32 v22, v13  }
0xde: {  	v35 =	vld.idx.msk [tilespmem:v26+s16+$0x0], $0xffff;
	v13 =	vmin.f32 v22, v13;
	v24 =	vmin.f32 v23, v27;
	v27 =	vmax.f32 v23, v27  }
0xdf: {  	v36 =	vld.idx.msk [tilespmem:v26+s15+$0x0], $0xffff;
	v23 =	vmin.f32 v25, v30;
	v21 =	vmin.f32 v34, v28;
	v30 =	vmax.f32 v25, v30  }
0xe0: {  	v25 =	vmax.f32 v34, v28;
	v22 =	vmin.f32 v27, v29;
	v27 =	vmax.f32 v27, v29  }
0xe1: {  	v20 =	vmin.f32 v30, v20;
	v28 =	vmul.f32 v31, v1;
	v29 =	vmul.f32 v31, v4  }
0xe2: {  	v30 =	vmul.f32 v31, v2;
	v31 =	vmul.f32 v31, v3;
	v19 =	vmin.f32 v27, v19  }
0xe3: {  	s29 =	sadd.s32 $0x1, s29;
	v62 =	vmul.f32 v32, v5;
	v27 =	vadd.f32 v35, v29;
	v29 =	vmul.f32 v32, v8  }
0xe4: {  	p1 =	slt.u32 s29, $0x7FF;
	v63 =	vmul.f32 v36, v12;
	v28 =	vadd.f32 v35, v28;
	v31 =	vadd.f32 v35, v31  }
.Ltmp13:
0xe5: {  	v29 =	vadd.f32 v27, v29;
	v27 =	vadd.s32 $0x1, v26;
	v26 =	vmul.f32 v32, v6;
	(pc) =	sbr.rel @!p1 .LBB2_17-.Ltmp13, $4  }
0xe6: {  	v30 =	vadd.f32 v35, v30;
	v38 =	vadd.f32 v28, v62;
	v28 =	vmul.f32 v32, v7  }
0xe7: {  	v40 =	vmul.f32 v36, v9;
	v39 =	vmul.f32 v36, v10;
	v34 =	vadd.f32 v29, v63  }
0xe8: {  	v43 =	vmul.f32 v36, v11;
	v36 =	vmovc v21;
	v41 =	vadd.f32 v30, v26;
	v42 =	vadd.f32 v31, v28  }
0xe9: {  	p0 =	por $0x1, $0x1;
	v35 =	vmovc v22;
	v32 =	vmovc v23;
	v31 =	vmov v24;
	v28 =	vmax.f32 v34, v16;
	v26 =	vmov v18  }
.LBB2_18:
0xea: {  	v29 =	vld.idx.msk [tilespmem:v27+s2+$0x0], $0xffff;
	s29 =	sadd.s32 $0x1, s29;
	v30 =	vadd.f32 v38, v40;
	v33 =	vadd.f32 v41, v39;
	v37 =	vmax.f32 v28, v15  }
0xeb: {  	v26 =	vmin.f32 v25, v26;
	v39 =	vld.idx.msk [tilespmem:v27+s14+$0x0], $0xffff;
	p1 =	slt.u32 s29, $0x7FF;
	v38 =	vadd.f32 v42, v43;
	v14 =	vmin.f32 v37, v14  }
0xec: {  	v37 =	vld.idx.msk [tilespmem:v27+s16+$0x0], $0xffff;
	v25 =	vmax.f32 v30, v17;
	v17 =	vmin.f32 v30, v17;
	v24 =	vmin.f32 v33, v24  }
0xed: {  	v30 =	vmax.f32 v33, v31;
	v33 =	vmax.f32 v38, v13;
	v13 =	vmin.f32 v38, v13;
	v31 =	vmovc v24  }
0xee: {  	v23 =	vmin.f32 v25, v23;
	v22 =	vmin.f32 v30, v22;
	v43 =	vld.idx.msk [tilespmem:v27+s15+$0x0], $0xffff;
	v21 =	vmin.f32 v33, v21  }
0xef: {  	v38 =	vmax.f32 v25, v32;
	v30 =	vmax.f32 v30, v35;
	v25 =	vmax.f32 v33, v36;
	v32 =	vmovc v23  }
0xf0: {  	v20 =	vmin.f32 v38, v20;
	v35 =	vmovc v22;
	v33 =	vmul.f32 v29, v1;
	v40 =	vmul.f32 v29, v4  }
0xf1: {  	v19 =	vmin.f32 v30, v19;
	v38 =	vmul.f32 v29, v2;
	v29 =	vmul.f32 v29, v3;
	v36 =	vmovc v21  }
0xf2: {  	v30 =	vadd.f32 v37, v33;
	v33 =	vadd.f32 v37, v40;
	v40 =	vmul.f32 v39, v8  }
0xf3: {  	v41 =	vmul.f32 v39, v5;
	v42 =	vadd.f32 v37, v38;
	v29 =	vadd.f32 v37, v29  }
.Ltmp14:
0xf4: {  	v27 =	vadd.s32 $0x1, v27;
	v33 =	vadd.f32 v33, v40;
	v37 =	vmul.f32 v43, v12;
	(pc) =	sbr.rel @p1 .LBB2_18-.Ltmp14, $4  }
0xf5: {  	v44 =	vmul.f32 v39, v7;
	v38 =	vadd.f32 v30, v41;
	v30 =	vmul.f32 v39, v6  }
0xf6: {  	v40 =	vmul.f32 v43, v9;
	v39 =	vmul.f32 v43, v10;
	v33 =	vadd.f32 v33, v37  }
0xf7: {  	v16 =	vmin.f32 v34, v16;
	v41 =	vadd.f32 v42, v30;
	v42 =	vadd.f32 v29, v44  }
0xf8: {  	v15 =	vmin.f32 v28, v15;
	v43 =	vmul.f32 v43, v11;
	v28 =	vmax.f32 v33, v16;
	v34 =	vmovc v33  }
.Ltmp15:
0xf9: {  	(pc) =	sbr.rel .LBB2_20-.Ltmp15, $3  }
0xfa: {  	_ =	sdelay $0x1  }
0xfb: {  	v33 =	vmov v28  }
0xfc: {  	v27 =	vmovc v24;
	v30 =	vmovc v23;
	v29 =	vmov v22;
	v28 =	vmov v21;
	v37 =	vmov v34  }
.LBB2_5:
0xfd: {  	v26 =	vimm.f32 $+Inf  }
.Ltmp16:
0xfe: {  	v15 =	vimm.f32 $+Inf;
	v28 =	vimm.f32 $+Inf;
	v16 =	vimm.f32 $+Inf;
	(pc) =	sbr.rel .LBB2_10-.Ltmp16, $4  }
0xff: {  	v18 =	vimm.f32 $+Inf;
	v29 =	vimm.f32 $+Inf;
	v19 =	vimm.f32 $+Inf  }
0x100: {  	v20 =	vimm.f32 $+Inf;
	v21 =	vimm.f32 $+Inf;
	v23 =	vimm.f32 $+Inf  }
0x101: {  	v30 =	vimm.f32 $+Inf;
	v33 =	vimm.f32 $+Inf;
	v34 =	vimm.f32 $+Inf  }
0x102: {  	v24 =	vimm.f32 $+Inf;
	v25 =	vimm.f32 $+Inf;
	v27 =	vimm.f32 $+Inf  }
.LBB2_7:
.Ltmp17:
0x103: {  	(pc) =	sbr.rel .LBB2_10-.Ltmp17, $3  }
0x104: {  	_ =	sdelay $0x1  }
0x105: {  	v31 =	vmov v32;
	v28 =	vimm.f32 $+Inf  }
0x106: {  	v29 =	vmovc v18;
	v30 =	vmovc v20;
	v33 =	vmov v21;
	v34 =	vmov v23;
	v32 =	vmov v17  }
.LBB2_17:
.Ltmp18:
0x107: {  	(pc) =	sbr.rel .LBB2_20-.Ltmp18, $4  }
0x108: {  	_ = 	snop  }
0x109: {  	v33 =	vmov v28  }
0x10a: {  	v26 =	vmovc v18;
	v27 =	vmovc v24;
	v31 =	vmov v24;
	v30 =	vmov v23;
	v29 =	vmov v22  }
0x10b: {  	v28 =	vmovc v21;
	v32 =	vmovc v23;
	v35 =	vmov v22;
	v36 =	vmov v21;
	v37 =	vmov v34  }
.LBB2_23:
0x10c: {  	_ =	sfence.sel $0x180000  }
0x10d: {  	[bflag:$0x0] =	sbarrier.arrive $0xFFFF  }
0x10e: {  	p0 =	sne.s32 s0, $0x0;
	_ =	strace $0x90000047  }
0x10f: {  	s0 =	sadd.s32 @!p0 $0x100000, s1;
	[bflag:$0x2] =	sbarrier.arrive $0xFFFF  }
0x110: {  	[sflag:s0] =	ssyncadd.tile.s32 @!p0 $0x1;
	_ =	shalt  }
.Lfunc_end2:
_tile_overlayer_lowered:
.L_overlay_start_2:
0x111: {  	(tag) =	ssettag $0x2  }
0x112: {  	s0 =	rddreg [dreg:$0x0];
	s2 =	stileid.u32  }
0x113: {  	s1 =	rddreg [dreg:$0x1];
	p0 =	sne.s32 s2, $0x0  }
0x114: {  	s3 =	rddreg [dreg:$0x2];
	[bflag:$0x3] =	sbarrier.arrive $0xFFFF;
	s2 =	simm.s32 @!p0 $0x1C01  }
0x115: {  	[timem:s3], [sflag:s2] =	dma.local @!p0 [hbm:s0], s1  }
0x116: {  	s0 =	simm.s32 @!p0 $0x1  }
0x117: {  	_ =	swait.ge @!p0 [sflag:s0], s1  }
0x118: {  	s1 =	ssub.s32 @!p0 $0x0, s1;
	[sflag:s0] =	ssyncset.done @!p0 $0x0  }
0x119: {  	[sflag:s0] =	ssyncadd.s32 @!p0 s1  }
0x11a: {  	[bflag:$0x3] =	sbarrier.arrive $0xFFFF  }
0x11b: {  	_ =	shalt  }

</sc_bundles>
